<compile_context>
chip_gen: v7x
topology: tpu7x:2x2x1
jax: 0.10.2.dev20260603
libtpu: 0.0.44.dev20260713+nightly
codegen_flags: <defaults>
</compile_context>

<pallas_src>
import functools

import jax
import jax.numpy as jnp
from jax import lax
from jax.experimental import pallas as pl
from jax.experimental.pallas import tpu as pltpu
from jax.experimental.pallas import tpu_sc as plsc

_LANES = 16
_NC = 2
_NS = 16
_NW = _NC * _NS
_IDS_UNROLL = 4
_VB = 10240


def _sc_histogram(n: int, wlen: int, vpad: int):
    mesh = plsc.VectorSubcoreMesh(core_axis_name="c", subcore_axis_name="s")
    vrows = vpad // 128

    @functools.partial(
        pl.kernel,
        out_type=jax.ShapeDtypeStruct((_NW, vrows, 128), jnp.int32),
        mesh=mesh,
        compiler_params=pltpu.CompilerParams(needs_layout_passes=False),
        scratch_types=[
            pltpu.VMEM((wlen,), jnp.int32),
            pltpu.VMEM((vrows, 128), jnp.int32),
        ],
    )
    def sc_body(ids_hbm, out_hbm, idx_v, hist_v):
        wid = lax.axis_index("s") * _NC + lax.axis_index("c")
        start = (wid * n) // _NW
        end = ((wid + 1) * n) // _NW
        astart = jnp.minimum((start // 8) * 8, n - wlen)
        pltpu.sync_copy(ids_hbm.at[pl.ds(astart, wlen)], idx_v)

        zero = jnp.zeros((_LANES,), jnp.int32)

        def zero_body(r, _):
            for u in range(128 // _LANES):
                hist_v[r, pl.ds(u * _LANES, _LANES)] = zero
            return 0

        lax.fori_loop(0, vrows, zero_body, 0)

        ones = jnp.ones((_LANES,), jnp.int32)
        lane = lax.iota(jnp.int32, _LANES)

        def scatter16(ids16, m=None):
            row16 = lax.shift_right_logical(ids16, 7)
            col16 = jnp.bitwise_and(ids16, 127)
            plsc.addupdate_scatter(hist_v, [row16, col16], ones, mask=m)

        n_groups = wlen // _LANES
        g_lo = (start - astart + _LANES - 1) // _LANES
        g_hi = (end - astart) // _LANES

        def edge_body(g, _):
            pos = astart + g * _LANES + lane
            m = jnp.logical_and(pos >= start, pos < end)
            scatter16(idx_v[pl.ds(g * _LANES, _LANES)], m)
            return 0

        lax.fori_loop(0, g_lo, edge_body, 0)
        n_mid = (g_hi - g_lo) // _IDS_UNROLL

        def mid_strided(i, _):
            for u in range(_IDS_UNROLL):
                g = g_lo + i * _IDS_UNROLL + u
                scatter16(idx_v[pl.ds(g * _LANES, _LANES)])
            return 0

        lax.fori_loop(0, n_mid, mid_strided, 0)
        lax.fori_loop(g_lo + n_mid * _IDS_UNROLL, n_groups, edge_body, 0)
        pltpu.sync_copy(hist_v, out_hbm.at[wid])

    return sc_body


def _tc_contract_body(h_ref, t_ref, wg_ref, bg_ref, wo_ref, bo_ref,
                      o_ref, acc_ref, *, vocab, n_rows, n_blocks):
    k = pl.program_id(0)

    @pl.when(k == 0)
    def _init():
        acc_ref[...] = jnp.zeros_like(acc_ref)

    counts = jnp.sum(h_ref[...], axis=0)
    c = counts.astype(jnp.bfloat16).reshape(1, -1)
    blk = t_ref.shape[0]

    @pl.when(k < n_blocks - 1)
    def _full():
        acc_ref[...] += jnp.dot(c, t_ref[...].astype(jnp.bfloat16),
                                preferred_element_type=jnp.float32)

    @pl.when(k == n_blocks - 1)
    def _masked():
        row = lax.broadcasted_iota(jnp.int32, t_ref.shape, 0) + k * blk
        tb = jnp.where(row < vocab, t_ref[...], 0.0).astype(jnp.bfloat16)
        acc_ref[...] += jnp.dot(c, tb, preferred_element_type=jnp.float32)

    @pl.when(k == n_blocks - 1)
    def _finish():
        m = acc_ref[...] * jnp.float32(1.0 / n_rows)
        h = jnp.dot(m, wg_ref[...], preferred_element_type=jnp.float32,
                    precision=lax.Precision.HIGHEST) + bg_ref[...]
        o = jnp.dot(h, wo_ref[...], preferred_element_type=jnp.float32,
                    precision=lax.Precision.HIGHEST) + bo_ref[...]
        o_ref[...] = o.reshape(o_ref.shape)


def kernel(input_ids, embed_table, W_gnn, b_gnn, W_out, b_out):
    n = input_ids.shape[0]
    vocab, hidden = embed_table.shape
    out_dim = W_out.shape[1]
    max_span = -(-n // _NW)
    wlen = -(-(max_span + 7) // _LANES) * _LANES
    vpad = -(-vocab // _VB) * _VB
    n_blocks = vpad // _VB

    ids = input_ids.astype(jnp.int32)
    hist = _sc_histogram(n, wlen, vpad)(ids)

    out = pl.pallas_call(
        functools.partial(_tc_contract_body, vocab=vocab, n_rows=n,
                          n_blocks=n_blocks),
        grid=(n_blocks,),
        in_specs=[
            pl.BlockSpec((_NW, _VB // 128, 128), lambda k: (0, k, 0)),
            pl.BlockSpec((_VB, hidden), lambda k: (k, 0)),
            pl.BlockSpec((hidden, hidden), lambda k: (0, 0)),
            pl.BlockSpec((1, hidden), lambda k: (0, 0)),
            pl.BlockSpec((hidden, out_dim), lambda k: (0, 0)),
            pl.BlockSpec((1, out_dim), lambda k: (0, 0)),
        ],
        out_specs=pl.BlockSpec((out_dim,), lambda k: (0,)),
        out_shape=jax.ShapeDtypeStruct((out_dim,), jnp.float32),
        scratch_shapes=[pltpu.VMEM((1, hidden), jnp.float32)],
    )(hist, embed_table, W_gnn, b_gnn.reshape(1, hidden), W_out,
      b_out.reshape(1, out_dim))
    return out

# --- scband reference (transcript-rebuilt; emitter-appended) ---
"""Pipeline reference for scband-episodic-memory-46626164965586 (READ-ONLY COPY).

The authoritative reference and input builder live on the scoring server;
editing this copy changes nothing except your own understanding.
"""

import jax, jax.numpy as jnp
import numpy as np

N = 100000
HIDDEN = 128
OUT = 768
VOCAB = 30522

def setup_inputs(seed: int = 0) -> dict:
    key = jax.random.key(seed)
    ks = jax.random.split(key, 6)
    input_ids = jax.random.randint(ks[0], (N,), 0, VOCAB)
    embed_table = jax.random.normal(ks[1], (VOCAB, HIDDEN), dtype=jnp.float32) * 0.02
    W_gnn = jax.random.normal(ks[2], (HIDDEN, HIDDEN), dtype=jnp.float32) / np.sqrt(HIDDEN)
    b_gnn = jnp.zeros((HIDDEN,), dtype=jnp.float32)
    W_out = jax.random.normal(ks[3], (HIDDEN, OUT), dtype=jnp.float32) / np.sqrt(HIDDEN)
    b_out = jnp.zeros((OUT,), dtype=jnp.float32)
    return {"input_ids": input_ids, "embed_table": embed_table, "W_gnn": W_gnn,
            "b_gnn": b_gnn, "W_out": W_out, "b_out": b_out}

def reference(input_ids, embed_table, W_gnn, b_gnn, W_out, b_out):
    # nn.Embed lookup
    nodes = jnp.take(embed_table, input_ids, axis=0)  # [N, HIDDEN]
    num_nodes = nodes.shape[0]
    # chain graph construction (as in __call__)
    senders = jnp.arange(num_nodes - 1)
    receivers = jnp.arange(1, num_nodes)
    edges = jnp.ones((num_nodes - 1, 1), dtype=nodes.dtype)
    # jraph.GraphNetwork: with update_node_fn provided it aggregates sent/received
    # edge attributes via segment_sum; the lambda ignores them, so node update
    # reduces to Dense(HIDDEN)(nodes). Aggregations computed for faithfulness.
    sent_attr = jax.ops.segment_sum(edges, senders, num_segments=num_nodes)
    recv_attr = jax.ops.segment_sum(edges, receivers, num_segments=num_nodes)
    del sent_attr, recv_attr  # unused by the update_node_fn lambda
    processed_nodes = nodes @ W_gnn + b_gnn  # GNNModel Dense(features=128)
    out_nodes = processed_nodes @ W_out + b_out  # Dense(features=768)
    episode_embedding = jnp.mean(out_nodes, axis=0)  # [768]
    return episode_embedding

if __name__ == "__main__":
    import jax
    _d = setup_inputs()
    print(jax.jit(kernel)(*tuple(_d.values())))

</pallas_src>

<mosaic_0001>
#map = affine_map<(d0, d1) -> (0)>
#map1 = affine_map<(d0, d1) -> (0, 0, 0)>
module attributes {stable_mosaic.version = 14 : i64} {
  func.func @sc_body(%arg0: i32, %arg1: i32, %arg2: memref<100000xi32, #tpu.memory_space<hbm>>, %arg3: memref<32x240x128xi32, #tpu.memory_space<hbm>>, %arg4: memref<3136xi32, #tpu.memory_space<vmem>>, %arg5: memref<240x128xi32, #tpu.memory_space<vmem>>) attributes {dimension_semantics = [#tpu.dimension_semantics<core_parallel>, #tpu.dimension_semantics<subcore_parallel>], iteration_bounds = array<i64: 2, 16>, scalar_prefetch = 0 : i64, scratch_operands = 2 : i64, tpu.core_type = #tpu.core_type<sc_vector_subcore>, window_params = [{transform_indices = #map}, {transform_indices = #map1}]} {
    %mul3A = arith.constant 2 : i32
    %mul3A_0 = arith.muli %arg1, %mul3A : i32
    %add3A = arith.addi %mul3A_0, %arg0 : i32
    %mul3A_1 = arith.constant 100000 : i32
    %mul3A_2 = arith.muli %add3A, %mul3A_1 : i32
    %jit3A = arith.constant 32 : i32
    %div3A = arith.divsi %mul3A_2, %jit3A : i32
    %sign3A = arith.constant 0 : i32
    %sign3A_3 = arith.cmpi sgt, %mul3A_2, %sign3A : i32
    %sign3A_4 = arith.extui %sign3A_3 : i1 to i32
    %sign3A_5 = arith.constant 0 : i32
    %sign3A_6 = arith.cmpi slt, %mul3A_2, %sign3A_5 : i32
    %sign3A_7 = arith.extui %sign3A_6 : i1 to i32
    %sign3A_8 = arith.subi %sign3A_4, %sign3A_7 : i32
    %sign3A_9 = arith.constant 0 : i32
    %sign3A_10 = arith.cmpi sgt, %jit3A, %sign3A_9 : i32
    %sign3A_11 = arith.extui %sign3A_10 : i1 to i32
    %sign3A_12 = arith.constant 0 : i32
    %sign3A_13 = arith.cmpi slt, %jit3A, %sign3A_12 : i32
    %sign3A_14 = arith.extui %sign3A_13 : i1 to i32
    %sign3A_15 = arith.subi %sign3A_11, %sign3A_14 : i32
    %ne3A = arith.cmpi ne, %sign3A_8, %sign3A_15 : i32
    %rem3A = arith.remsi %mul3A_2, %jit3A : i32
    %ne3A_16 = arith.constant 0 : i32
    %ne3A_17 = arith.cmpi ne, %rem3A, %ne3A_16 : i32
    %and3A = arith.andi %ne3A, %ne3A_17 : i1
    %sub3A = arith.constant 1 : i32
    %sub3A_18 = arith.subi %div3A, %sub3A : i32
    %select_n3A = arith.select %and3A, %sub3A_18, %div3A : i32
    %add3A_19 = arith.constant 1 : i32
    %add3A_20 = arith.addi %add3A, %add3A_19 : i32
    %mul3A_21 = arith.constant 100000 : i32
    %mul3A_22 = arith.muli %add3A_20, %mul3A_21 : i32
    %jit3A_23 = arith.constant 32 : i32
    %div3A_24 = arith.divsi %mul3A_22, %jit3A_23 : i32
    %sign3A_25 = arith.constant 0 : i32
    %sign3A_26 = arith.cmpi sgt, %mul3A_22, %sign3A_25 : i32
    %sign3A_27 = arith.extui %sign3A_26 : i1 to i32
    %sign3A_28 = arith.constant 0 : i32
    %sign3A_29 = arith.cmpi slt, %mul3A_22, %sign3A_28 : i32
    %sign3A_30 = arith.extui %sign3A_29 : i1 to i32
    %sign3A_31 = arith.subi %sign3A_27, %sign3A_30 : i32
    %sign3A_32 = arith.constant 0 : i32
    %sign3A_33 = arith.cmpi sgt, %jit3A_23, %sign3A_32 : i32
    %sign3A_34 = arith.extui %sign3A_33 : i1 to i32
    %sign3A_35 = arith.constant 0 : i32
    %sign3A_36 = arith.cmpi slt, %jit3A_23, %sign3A_35 : i32
    %sign3A_37 = arith.extui %sign3A_36 : i1 to i32
    %sign3A_38 = arith.subi %sign3A_34, %sign3A_37 : i32
    %ne3A_39 = arith.cmpi ne, %sign3A_31, %sign3A_38 : i32
    %rem3A_40 = arith.remsi %mul3A_22, %jit3A_23 : i32
    %ne3A_41 = arith.constant 0 : i32
    %ne3A_42 = arith.cmpi ne, %rem3A_40, %ne3A_41 : i32
    %and3A_43 = arith.andi %ne3A_39, %ne3A_42 : i1
    %sub3A_44 = arith.constant 1 : i32
    %sub3A_45 = arith.subi %div3A_24, %sub3A_44 : i32
    %select_n3A_46 = arith.select %and3A_43, %sub3A_45, %div3A_24 : i32
    %jit3A_47 = arith.constant 8 : i32
    %div3A_48 = arith.divsi %select_n3A, %jit3A_47 : i32
    %sign3A_49 = arith.constant 0 : i32
    %sign3A_50 = arith.cmpi sgt, %select_n3A, %sign3A_49 : i32
    %sign3A_51 = arith.extui %sign3A_50 : i1 to i32
    %sign3A_52 = arith.constant 0 : i32
    %sign3A_53 = arith.cmpi slt, %select_n3A, %sign3A_52 : i32
    %sign3A_54 = arith.extui %sign3A_53 : i1 to i32
    %sign3A_55 = arith.subi %sign3A_51, %sign3A_54 : i32
    %sign3A_56 = arith.constant 0 : i32
    %sign3A_57 = arith.cmpi sgt, %jit3A_47, %sign3A_56 : i32
    %sign3A_58 = arith.extui %sign3A_57 : i1 to i32
    %sign3A_59 = arith.constant 0 : i32
    %sign3A_60 = arith.cmpi slt, %jit3A_47, %sign3A_59 : i32
    %sign3A_61 = arith.extui %sign3A_60 : i1 to i32
    %sign3A_62 = arith.subi %sign3A_58, %sign3A_61 : i32
    %ne3A_63 = arith.cmpi ne, %sign3A_55, %sign3A_62 : i32
    %rem3A_64 = arith.remsi %select_n3A, %jit3A_47 : i32
    %ne3A_65 = arith.constant 0 : i32
    %ne3A_66 = arith.cmpi ne, %rem3A_64, %ne3A_65 : i32
    %and3A_67 = arith.andi %ne3A_63, %ne3A_66 : i1
    %sub3A_68 = arith.constant 1 : i32
    %sub3A_69 = arith.subi %div3A_48, %sub3A_68 : i32
    %select_n3A_70 = arith.select %and3A_67, %sub3A_69, %div3A_48 : i32
    %mul3A_71 = arith.constant 8 : i32
    %mul3A_72 = arith.muli %select_n3A_70, %mul3A_71 : i32
    %min3A = arith.constant 96864 : i32
    %min3A_73 = arith.minsi %mul3A_72, %min3A : i32
    "tpu.region"() ({
      %run_scoped3A = tpu.sem_alloc : memref<!tpu.dma_semaphore, #tpu.memory_space<semaphore_mem>>
      %dma_start3A = tpu.memref_slice %arg2[%min3A_73] : memref<100000xi32, #tpu.memory_space<hbm>> -> memref<3136xi32, #tpu.memory_space<hbm>>
      %dma_start3A_200 = tpu.memref_slice %arg2[%min3A_73] : memref<100000xi32, #tpu.memory_space<hbm>> -> memref<3136xi32, #tpu.memory_space<hbm>>
      tpu.enqueue_dma source(%dma_start3A_200 : memref<3136xi32, #tpu.memory_space<hbm>>) target(%arg4 : memref<3136xi32, #tpu.memory_space<vmem>>) target_semaphore(%run_scoped3A : memref<!tpu.dma_semaphore, #tpu.memory_space<semaphore_mem>>)
      %dma_wait3A = tpu.memref_slice %arg2[%min3A_73] : memref<100000xi32, #tpu.memory_space<hbm>> -> memref<3136xi32, #tpu.memory_space<hbm>>
      %dma_wait3A_201 = tpu.memref_slice %arg2[%min3A_73] : memref<100000xi32, #tpu.memory_space<hbm>> -> memref<3136xi32, #tpu.memory_space<hbm>>
      tpu.wait_dma2 semaphore(%run_scoped3A : memref<!tpu.dma_semaphore, #tpu.memory_space<semaphore_mem>>) src(%dma_wait3A_201 : memref<3136xi32, #tpu.memory_space<hbm>>) dst(%arg4 : memref<3136xi32, #tpu.memory_space<vmem>>)
      tpu.yield
    }) : () -> ()
    %broadcast_in_dim3A = arith.constant 0 : i32
    %broadcast_in_dim3A_74 = vector.broadcast %broadcast_in_dim3A : i32 to vector<16xi32>
    %scan3A = arith.constant 0 : i32
    %scan3A_75 = arith.constant 0 : i32
    %scan3A_76 = arith.constant 240 : i32
    %scan3A_77 = arith.addi %scan3A_75, %scan3A_76 : i32
    %scan3A_78 = arith.constant 1 : i32
    %scan3A_79 = scf.for %scan3A_200 = %scan3A_75 to %scan3A_77 step %scan3A_78 iter_args(%scan3A_201 = %scan3A) -> (i32)  : i32 {
      %swap3A = arith.index_cast %scan3A_200 : i32 to index
      %swap3A_202 = arith.constant 0 : index
      %swap3A_203 = tpu.vector_load %arg5[%swap3A, %swap3A_202] {strides = array<i32>} : memref<240x128xi32, #tpu.memory_space<vmem>>, vector<16xi32>,
      tpu.vector_store %arg5[%swap3A, %swap3A_202], %broadcast_in_dim3A_74 {strides = array<i32>} : memref<240x128xi32, #tpu.memory_space<vmem>>, vector<16xi32>,
      %swap3A_204 = arith.index_cast %scan3A_200 : i32 to index
      %swap3A_205 = arith.constant 16 : index
      %swap3A_206 = tpu.vector_load %arg5[%swap3A_204, %swap3A_205] {strides = array<i32>} : memref<240x128xi32, #tpu.memory_space<vmem>>, vector<16xi32>,
      tpu.vector_store %arg5[%swap3A_204, %swap3A_205], %broadcast_in_dim3A_74 {strides = array<i32>} : memref<240x128xi32, #tpu.memory_space<vmem>>, vector<16xi32>,
      %swap3A_207 = arith.index_cast %scan3A_200 : i32 to index
      %swap3A_208 = arith.constant 32 : index
      %swap3A_209 = tpu.vector_load %arg5[%swap3A_207, %swap3A_208] {strides = array<i32>} : memref<240x128xi32, #tpu.memory_space<vmem>>, vector<16xi32>,
      tpu.vector_store %arg5[%swap3A_207, %swap3A_208], %broadcast_in_dim3A_74 {strides = array<i32>} : memref<240x128xi32, #tpu.memory_space<vmem>>, vector<16xi32>,
      %swap3A_210 = arith.index_cast %scan3A_200 : i32 to index
      %swap3A_211 = arith.constant 48 : index
      %swap3A_212 = tpu.vector_load %arg5[%swap3A_210, %swap3A_211] {strides = array<i32>} : memref<240x128xi32, #tpu.memory_space<vmem>>, vector<16xi32>,
      tpu.vector_store %arg5[%swap3A_210, %swap3A_211], %broadcast_in_dim3A_74 {strides = array<i32>} : memref<240x128xi32, #tpu.memory_space<vmem>>, vector<16xi32>,
      %swap3A_213 = arith.index_cast %scan3A_200 : i32 to index
      %swap3A_214 = arith.constant 64 : index
      %swap3A_215 = tpu.vector_load %arg5[%swap3A_213, %swap3A_214] {strides = array<i32>} : memref<240x128xi32, #tpu.memory_space<vmem>>, vector<16xi32>,
      tpu.vector_store %arg5[%swap3A_213, %swap3A_214], %broadcast_in_dim3A_74 {strides = array<i32>} : memref<240x128xi32, #tpu.memory_space<vmem>>, vector<16xi32>,
      %swap3A_216 = arith.index_cast %scan3A_200 : i32 to index
      %swap3A_217 = arith.constant 80 : index
      %swap3A_218 = tpu.vector_load %arg5[%swap3A_216, %swap3A_217] {strides = array<i32>} : memref<240x128xi32, #tpu.memory_space<vmem>>, vector<16xi32>,
      tpu.vector_store %arg5[%swap3A_216, %swap3A_217], %broadcast_in_dim3A_74 {strides = array<i32>} : memref<240x128xi32, #tpu.memory_space<vmem>>, vector<16xi32>,
      %swap3A_219 = arith.index_cast %scan3A_200 : i32 to index
      %swap3A_220 = arith.constant 96 : index
      %swap3A_221 = tpu.vector_load %arg5[%swap3A_219, %swap3A_220] {strides = array<i32>} : memref<240x128xi32, #tpu.memory_space<vmem>>, vector<16xi32>,
      tpu.vector_store %arg5[%swap3A_219, %swap3A_220], %broadcast_in_dim3A_74 {strides = array<i32>} : memref<240x128xi32, #tpu.memory_space<vmem>>, vector<16xi32>,
      %swap3A_222 = arith.index_cast %scan3A_200 : i32 to index
      %swap3A_223 = arith.constant 112 : index
      %swap3A_224 = tpu.vector_load %arg5[%swap3A_222, %swap3A_223] {strides = array<i32>} : memref<240x128xi32, #tpu.memory_space<vmem>>, vector<16xi32>,
      tpu.vector_store %arg5[%swap3A_222, %swap3A_223], %broadcast_in_dim3A_74 {strides = array<i32>} : memref<240x128xi32, #tpu.memory_space<vmem>>, vector<16xi32>,
      %scan3A_225 = arith.constant 0 : i32
      scf.yield %scan3A_225 : i32
    }
    %scan3A_80 = arith.constant 240 : i32
    %broadcast_in_dim3A_81 = arith.constant 1 : i32
    %broadcast_in_dim3A_82 = vector.broadcast %broadcast_in_dim3A_81 : i32 to vector<16xi32>
    %iota3A = tpu.iota {dimensions = array<i32: 0>} : vector<16xi32>
    %sub3A_83 = arith.subi %select_n3A, %min3A_73 : i32
    %add3A_84 = arith.constant 16 : i32
    %add3A_85 = arith.addi %sub3A_83, %add3A_84 : i32
    %sub3A_86 = arith.constant 1 : i32
    %sub3A_87 = arith.subi %add3A_85, %sub3A_86 : i32
    %jit3A_88 = arith.constant 16 : i32
    %div3A_89 = arith.divsi %sub3A_87, %jit3A_88 : i32
    %sign3A_90 = arith.constant 0 : i32
    %sign3A_91 = arith.cmpi sgt, %sub3A_87, %sign3A_90 : i32
    %sign3A_92 = arith.extui %sign3A_91 : i1 to i32
    %sign3A_93 = arith.constant 0 : i32
    %sign3A_94 = arith.cmpi slt, %sub3A_87, %sign3A_93 : i32
    %sign3A_95 = arith.extui %sign3A_94 : i1 to i32
    %sign3A_96 = arith.subi %sign3A_92, %sign3A_95 : i32
    %sign3A_97 = arith.constant 0 : i32
    %sign3A_98 = arith.cmpi sgt, %jit3A_88, %sign3A_97 : i32
    %sign3A_99 = arith.extui %sign3A_98 : i1 to i32
    %sign3A_100 = arith.constant 0 : i32
    %sign3A_101 = arith.cmpi slt, %jit3A_88, %sign3A_100 : i32
    %sign3A_102 = arith.extui %sign3A_101 : i1 to i32
    %sign3A_103 = arith.subi %sign3A_99, %sign3A_102 : i32
    %ne3A_104 = arith.cmpi ne, %sign3A_96, %sign3A_103 : i32
    %rem3A_105 = arith.remsi %sub3A_87, %jit3A_88 : i32
    %ne3A_106 = arith.constant 0 : i32
    %ne3A_107 = arith.cmpi ne, %rem3A_105, %ne3A_106 : i32
    %and3A_108 = arith.andi %ne3A_104, %ne3A_107 : i1
    %sub3A_109 = arith.constant 1 : i32
    %sub3A_110 = arith.subi %div3A_89, %sub3A_109 : i32
    %select_n3A_111 = arith.select %and3A_108, %sub3A_110, %div3A_89 : i32
    %sub3A_112 = arith.subi %select_n3A_46, %min3A_73 : i32
    %jit3A_113 = arith.constant 16 : i32
    %div3A_114 = arith.divsi %sub3A_112, %jit3A_113 : i32
    %sign3A_115 = arith.constant 0 : i32
    %sign3A_116 = arith.cmpi sgt, %sub3A_112, %sign3A_115 : i32
    %sign3A_117 = arith.extui %sign3A_116 : i1 to i32
    %sign3A_118 = arith.constant 0 : i32
    %sign3A_119 = arith.cmpi slt, %sub3A_112, %sign3A_118 : i32
    %sign3A_120 = arith.extui %sign3A_119 : i1 to i32
    %sign3A_121 = arith.subi %sign3A_117, %sign3A_120 : i32
    %sign3A_122 = arith.constant 0 : i32
    %sign3A_123 = arith.cmpi sgt, %jit3A_113, %sign3A_122 : i32
    %sign3A_124 = arith.extui %sign3A_123 : i1 to i32
    %sign3A_125 = arith.constant 0 : i32
    %sign3A_126 = arith.cmpi slt, %jit3A_113, %sign3A_125 : i32
    %sign3A_127 = arith.extui %sign3A_126 : i1 to i32
    %sign3A_128 = arith.subi %sign3A_124, %sign3A_127 : i32
    %ne3A_129 = arith.cmpi ne, %sign3A_121, %sign3A_128 : i32
    %rem3A_130 = arith.remsi %sub3A_112, %jit3A_113 : i32
    %ne3A_131 = arith.constant 0 : i32
    %ne3A_132 = arith.cmpi ne, %rem3A_130, %ne3A_131 : i32
    %and3A_133 = arith.andi %ne3A_129, %ne3A_132 : i1
    %sub3A_134 = arith.constant 1 : i32
    %sub3A_135 = arith.subi %div3A_114, %sub3A_134 : i32
    %select_n3A_136 = arith.select %and3A_133, %sub3A_135, %div3A_114 : i32
    %while3A = arith.constant 0 : i32
    %while3A_137 = arith.constant 0 : i32
    %while3A_138 = arith.subi %select_n3A_111, %while3A : i32
    %while3A_139 = arith.addi %while3A, %while3A_138 : i32
    %while3A_140 = arith.constant 1 : i32
    %while3A_141 = arith.divsi %while3A_138, %while3A_140 : i32
    %while3A_142 = arith.muli %while3A_141, %while3A_140 : i32
    %while3A_143 = arith.addi %while3A, %while3A_142 : i32
    %while3A_144 = arith.constant 1 : i32
    %while3A_145 = scf.for %while3A_200 = %while3A to %while3A_143 step %while3A_144 iter_args(%while3A_201 = %while3A_137) -> (i32)  : i32 {
      %mul3A_202 = arith.constant 16 : i32
      %mul3A_203 = arith.muli %while3A_200, %mul3A_202 : i32
      %add3A_204 = arith.addi %min3A_73, %mul3A_203 : i32
      %add3A_205 = vector.broadcast %add3A_204 : i32 to vector<16xi32>
      %add3A_206 = arith.addi %add3A_205, %iota3A : vector<16xi32>
      %ge3A = vector.broadcast %select_n3A : i32 to vector<16xi32>
      %ge3A_207 = arith.cmpi sge, %add3A_206, %ge3A : vector<16xi32>
      %lt3A = vector.broadcast %select_n3A_46 : i32 to vector<16xi32>
      %lt3A_208 = arith.cmpi slt, %add3A_206, %lt3A : vector<16xi32>
      %and3A_209 = arith.andi %ge3A_207, %lt3A_208 : vector<16xi1>
      %mul3A_210 = arith.constant 16 : i32
      %mul3A_211 = arith.muli %while3A_200, %mul3A_210 : i32
      %get3A = arith.index_cast %mul3A_211 : i32 to index
      %get3A_212 = tpu.vector_load %arg4[%get3A] {strides = array<i32>} : memref<3136xi32, #tpu.memory_space<vmem>>, vector<16xi32>,
      %shift_right_logical3A = arith.constant 7 : i32
      %shift_right_logical3A_213 = vector.broadcast %shift_right_logical3A : i32 to vector<16xi32>
      %shift_right_logical3A_214 = arith.shrui %get3A_212, %shift_right_logical3A_213 : vector<16xi32>
      %and3A_215 = arith.constant 127 : i32
      %and3A_216 = vector.broadcast %and3A_215 : i32 to vector<16xi32>
      %and3A_217 = arith.andi %get3A_212, %and3A_216 : vector<16xi32>
      tpu.vector_store_idx %arg5[%shift_right_logical3A_214, %and3A_217], %broadcast_in_dim3A_82 masked %and3A_209 {add = true} : memref<240x128xi32, #tpu.memory_space<vmem>>[vector<16xi32>, vector<16xi32>], vector<16xi32>, vector<16xi1>
      %while3A_218 = arith.constant 0 : i32
      scf.yield %while3A_218 : i32
    }
    %while3A_146 = arith.constant 1 : i32
    %while3A_147 = scf.for %while3A_200 = %while3A_143 to %while3A_139 step %while3A_146 iter_args(%while3A_201 = %while3A_145) -> (i32)  : i32 {
      %mul3A_202 = arith.constant 16 : i32
      %mul3A_203 = arith.muli %while3A_200, %mul3A_202 : i32
      %add3A_204 = arith.addi %min3A_73, %mul3A_203 : i32
      %add3A_205 = vector.broadcast %add3A_204 : i32 to vector<16xi32>
      %add3A_206 = arith.addi %add3A_205, %iota3A : vector<16xi32>
      %ge3A = vector.broadcast %select_n3A : i32 to vector<16xi32>
      %ge3A_207 = arith.cmpi sge, %add3A_206, %ge3A : vector<16xi32>
      %lt3A = vector.broadcast %select_n3A_46 : i32 to vector<16xi32>
      %lt3A_208 = arith.cmpi slt, %add3A_206, %lt3A : vector<16xi32>
      %and3A_209 = arith.andi %ge3A_207, %lt3A_208 : vector<16xi1>
      %mul3A_210 = arith.constant 16 : i32
      %mul3A_211 = arith.muli %while3A_200, %mul3A_210 : i32
      %get3A = arith.index_cast %mul3A_211 : i32 to index
      %get3A_212 = tpu.vector_load %arg4[%get3A] {strides = array<i32>} : memref<3136xi32, #tpu.memory_space<vmem>>, vector<16xi32>,
      %shift_right_logical3A = arith.constant 7 : i32
      %shift_right_logical3A_213 = vector.broadcast %shift_right_logical3A : i32 to vector<16xi32>
      %shift_right_logical3A_214 = arith.shrui %get3A_212, %shift_right_logical3A_213 : vector<16xi32>
      %and3A_215 = arith.constant 127 : i32
      %and3A_216 = vector.broadcast %and3A_215 : i32 to vector<16xi32>
      %and3A_217 = arith.andi %get3A_212, %and3A_216 : vector<16xi32>
      tpu.vector_store_idx %arg5[%shift_right_logical3A_214, %and3A_217], %broadcast_in_dim3A_82 masked %and3A_209 {add = true} : memref<240x128xi32, #tpu.memory_space<vmem>>[vector<16xi32>, vector<16xi32>], vector<16xi32>, vector<16xi1>
      %while3A_218 = arith.constant 0 : i32
      scf.yield %while3A_218 : i32
    }
    %sub3A_148 = arith.subi %select_n3A_136, %select_n3A_111 : i32
    %jit3A_149 = arith.constant 4 : i32
    %div3A_150 = arith.divsi %sub3A_148, %jit3A_149 : i32
    %sign3A_151 = arith.constant 0 : i32
    %sign3A_152 = arith.cmpi sgt, %sub3A_148, %sign3A_151 : i32
    %sign3A_153 = arith.extui %sign3A_152 : i1 to i32
    %sign3A_154 = arith.constant 0 : i32
    %sign3A_155 = arith.cmpi slt, %sub3A_148, %sign3A_154 : i32
    %sign3A_156 = arith.extui %sign3A_155 : i1 to i32
    %sign3A_157 = arith.subi %sign3A_153, %sign3A_156 : i32
    %sign3A_158 = arith.constant 0 : i32
    %sign3A_159 = arith.cmpi sgt, %jit3A_149, %sign3A_158 : i32
    %sign3A_160 = arith.extui %sign3A_159 : i1 to i32
    %sign3A_161 = arith.constant 0 : i32
    %sign3A_162 = arith.cmpi slt, %jit3A_149, %sign3A_161 : i32
    %sign3A_163 = arith.extui %sign3A_162 : i1 to i32
    %sign3A_164 = arith.subi %sign3A_160, %sign3A_163 : i32
    %ne3A_165 = arith.cmpi ne, %sign3A_157, %sign3A_164 : i32
    %rem3A_166 = arith.remsi %sub3A_148, %jit3A_149 : i32
    %ne3A_167 = arith.constant 0 : i32
    %ne3A_168 = arith.cmpi ne, %rem3A_166, %ne3A_167 : i32
    %and3A_169 = arith.andi %ne3A_165, %ne3A_168 : i1
    %sub3A_170 = arith.constant 1 : i32
    %sub3A_171 = arith.subi %div3A_150, %sub3A_170 : i32
    %select_n3A_172 = arith.select %and3A_169, %sub3A_171, %div3A_150 : i32
    %while3A_173 = arith.constant 0 : i32
    %while3A_174 = arith.constant 0 : i32
    %while3A_175 = arith.subi %select_n3A_172, %while3A_173 : i32
    %while3A_176 = arith.addi %while3A_173, %while3A_175 : i32
    %while3A_177 = arith.constant 1 : i32
    %while3A_178 = arith.divsi %while3A_175, %while3A_177 : i32
    %while3A_179 = arith.muli %while3A_178, %while3A_177 : i32
    %while3A_180 = arith.addi %while3A_173, %while3A_179 : i32
    %while3A_181 = arith.constant 1 : i32
    %while3A_182 = scf.for %while3A_200 = %while3A_173 to %while3A_180 step %while3A_181 iter_args(%while3A_201 = %while3A_174) -> (i32)  : i32 {
      %mul3A_202 = arith.constant 4 : i32
      %mul3A_203 = arith.muli %while3A_200, %mul3A_202 : i32
      %add3A_204 = arith.addi %select_n3A_111, %mul3A_203 : i32
      %add3A_205 = arith.constant 0 : i32
      %add3A_206 = arith.addi %add3A_204, %add3A_205 : i32
      %mul3A_207 = arith.constant 16 : i32
      %mul3A_208 = arith.muli %add3A_206, %mul3A_207 : i32
      %get3A = arith.index_cast %mul3A_208 : i32 to index
      %get3A_209 = tpu.vector_load %arg4[%get3A] {strides = array<i32>} : memref<3136xi32, #tpu.memory_space<vmem>>, vector<16xi32>,
      %shift_right_logical3A = arith.constant 7 : i32
      %shift_right_logical3A_210 = vector.broadcast %shift_right_logical3A : i32 to vector<16xi32>
      %shift_right_logical3A_211 = arith.shrui %get3A_209, %shift_right_logical3A_210 : vector<16xi32>
      %and3A_212 = arith.constant 127 : i32
      %and3A_213 = vector.broadcast %and3A_212 : i32 to vector<16xi32>
      %and3A_214 = arith.andi %get3A_209, %and3A_213 : vector<16xi32>
      tpu.vector_store_idx %arg5[%shift_right_logical3A_211, %and3A_214], %broadcast_in_dim3A_82 {add = true} : memref<240x128xi32, #tpu.memory_space<vmem>>[vector<16xi32>, vector<16xi32>], vector<16xi32>,
      %mul3A_215 = arith.constant 4 : i32
      %mul3A_216 = arith.muli %while3A_200, %mul3A_215 : i32
      %add3A_217 = arith.addi %select_n3A_111, %mul3A_216 : i32
      %add3A_218 = arith.constant 1 : i32
      %add3A_219 = arith.addi %add3A_217, %add3A_218 : i32
      %mul3A_220 = arith.constant 16 : i32
      %mul3A_221 = arith.muli %add3A_219, %mul3A_220 : i32
      %get3A_222 = arith.index_cast %mul3A_221 : i32 to index
      %get3A_223 = tpu.vector_load %arg4[%get3A_222] {strides = array<i32>} : memref<3136xi32, #tpu.memory_space<vmem>>, vector<16xi32>,
      %shift_right_logical3A_224 = arith.constant 7 : i32
      %shift_right_logical3A_225 = vector.broadcast %shift_right_logical3A_224 : i32 to vector<16xi32>
      %shift_right_logical3A_226 = arith.shrui %get3A_223, %shift_right_logical3A_225 : vector<16xi32>
      %and3A_227 = arith.constant 127 : i32
      %and3A_228 = vector.broadcast %and3A_227 : i32 to vector<16xi32>
      %and3A_229 = arith.andi %get3A_223, %and3A_228 : vector<16xi32>
      tpu.vector_store_idx %arg5[%shift_right_logical3A_226, %and3A_229], %broadcast_in_dim3A_82 {add = true} : memref<240x128xi32, #tpu.memory_space<vmem>>[vector<16xi32>, vector<16xi32>], vector<16xi32>,
      %mul3A_230 = arith.constant 4 : i32
      %mul3A_231 = arith.muli %while3A_200, %mul3A_230 : i32
      %add3A_232 = arith.addi %select_n3A_111, %mul3A_231 : i32
      %add3A_233 = arith.constant 2 : i32
      %add3A_234 = arith.addi %add3A_232, %add3A_233 : i32
      %mul3A_235 = arith.constant 16 : i32
      %mul3A_236 = arith.muli %add3A_234, %mul3A_235 : i32
      %get3A_237 = arith.index_cast %mul3A_236 : i32 to index
      %get3A_238 = tpu.vector_load %arg4[%get3A_237] {strides = array<i32>} : memref<3136xi32, #tpu.memory_space<vmem>>, vector<16xi32>,
      %shift_right_logical3A_239 = arith.constant 7 : i32
      %shift_right_logical3A_240 = vector.broadcast %shift_right_logical3A_239 : i32 to vector<16xi32>
      %shift_right_logical3A_241 = arith.shrui %get3A_238, %shift_right_logical3A_240 : vector<16xi32>
      %and3A_242 = arith.constant 127 : i32
      %and3A_243 = vector.broadcast %and3A_242 : i32 to vector<16xi32>
      %and3A_244 = arith.andi %get3A_238, %and3A_243 : vector<16xi32>
      tpu.vector_store_idx %arg5[%shift_right_logical3A_241, %and3A_244], %broadcast_in_dim3A_82 {add = true} : memref<240x128xi32, #tpu.memory_space<vmem>>[vector<16xi32>, vector<16xi32>], vector<16xi32>,
      %mul3A_245 = arith.constant 4 : i32
      %mul3A_246 = arith.muli %while3A_200, %mul3A_245 : i32
      %add3A_247 = arith.addi %select_n3A_111, %mul3A_246 : i32
      %add3A_248 = arith.constant 3 : i32
      %add3A_249 = arith.addi %add3A_247, %add3A_248 : i32
      %mul3A_250 = arith.constant 16 : i32
      %mul3A_251 = arith.muli %add3A_249, %mul3A_250 : i32
      %get3A_252 = arith.index_cast %mul3A_251 : i32 to index
      %get3A_253 = tpu.vector_load %arg4[%get3A_252] {strides = array<i32>} : memref<3136xi32, #tpu.memory_space<vmem>>, vector<16xi32>,
      %shift_right_logical3A_254 = arith.constant 7 : i32
      %shift_right_logical3A_255 = vector.broadcast %shift_right_logical3A_254 : i32 to vector<16xi32>
      %shift_right_logical3A_256 = arith.shrui %get3A_253, %shift_right_logical3A_255 : vector<16xi32>
      %and3A_257 = arith.constant 127 : i32
      %and3A_258 = vector.broadcast %and3A_257 : i32 to vector<16xi32>
      %and3A_259 = arith.andi %get3A_253, %and3A_258 : vector<16xi32>
      tpu.vector_store_idx %arg5[%shift_right_logical3A_256, %and3A_259], %broadcast_in_dim3A_82 {add = true} : memref<240x128xi32, #tpu.memory_space<vmem>>[vector<16xi32>, vector<16xi32>], vector<16xi32>,
      %while3A_260 = arith.constant 0 : i32
      scf.yield %while3A_260 : i32
    }
    %while3A_183 = arith.constant 1 : i32
    %while3A_184 = scf.for %while3A_200 = %while3A_180 to %while3A_176 step %while3A_183 iter_args(%while3A_201 = %while3A_182) -> (i32)  : i32 {
      %mul3A_202 = arith.constant 4 : i32
      %mul3A_203 = arith.muli %while3A_200, %mul3A_202 : i32
      %add3A_204 = arith.addi %select_n3A_111, %mul3A_203 : i32
      %add3A_205 = arith.constant 0 : i32
      %add3A_206 = arith.addi %add3A_204, %add3A_205 : i32
      %mul3A_207 = arith.constant 16 : i32
      %mul3A_208 = arith.muli %add3A_206, %mul3A_207 : i32
      %get3A = arith.index_cast %mul3A_208 : i32 to index
      %get3A_209 = tpu.vector_load %arg4[%get3A] {strides = array<i32>} : memref<3136xi32, #tpu.memory_space<vmem>>, vector<16xi32>,
      %shift_right_logical3A = arith.constant 7 : i32
      %shift_right_logical3A_210 = vector.broadcast %shift_right_logical3A : i32 to vector<16xi32>
      %shift_right_logical3A_211 = arith.shrui %get3A_209, %shift_right_logical3A_210 : vector<16xi32>
      %and3A_212 = arith.constant 127 : i32
      %and3A_213 = vector.broadcast %and3A_212 : i32 to vector<16xi32>
      %and3A_214 = arith.andi %get3A_209, %and3A_213 : vector<16xi32>
      tpu.vector_store_idx %arg5[%shift_right_logical3A_211, %and3A_214], %broadcast_in_dim3A_82 {add = true} : memref<240x128xi32, #tpu.memory_space<vmem>>[vector<16xi32>, vector<16xi32>], vector<16xi32>,
      %mul3A_215 = arith.constant 4 : i32
      %mul3A_216 = arith.muli %while3A_200, %mul3A_215 : i32
      %add3A_217 = arith.addi %select_n3A_111, %mul3A_216 : i32
      %add3A_218 = arith.constant 1 : i32
      %add3A_219 = arith.addi %add3A_217, %add3A_218 : i32
      %mul3A_220 = arith.constant 16 : i32
      %mul3A_221 = arith.muli %add3A_219, %mul3A_220 : i32
      %get3A_222 = arith.index_cast %mul3A_221 : i32 to index
      %get3A_223 = tpu.vector_load %arg4[%get3A_222] {strides = array<i32>} : memref<3136xi32, #tpu.memory_space<vmem>>, vector<16xi32>,
      %shift_right_logical3A_224 = arith.constant 7 : i32
      %shift_right_logical3A_225 = vector.broadcast %shift_right_logical3A_224 : i32 to vector<16xi32>
      %shift_right_logical3A_226 = arith.shrui %get3A_223, %shift_right_logical3A_225 : vector<16xi32>
      %and3A_227 = arith.constant 127 : i32
      %and3A_228 = vector.broadcast %and3A_227 : i32 to vector<16xi32>
      %and3A_229 = arith.andi %get3A_223, %and3A_228 : vector<16xi32>
      tpu.vector_store_idx %arg5[%shift_right_logical3A_226, %and3A_229], %broadcast_in_dim3A_82 {add = true} : memref<240x128xi32, #tpu.memory_space<vmem>>[vector<16xi32>, vector<16xi32>], vector<16xi32>,
      %mul3A_230 = arith.constant 4 : i32
      %mul3A_231 = arith.muli %while3A_200, %mul3A_230 : i32
      %add3A_232 = arith.addi %select_n3A_111, %mul3A_231 : i32
      %add3A_233 = arith.constant 2 : i32
      %add3A_234 = arith.addi %add3A_232, %add3A_233 : i32
      %mul3A_235 = arith.constant 16 : i32
      %mul3A_236 = arith.muli %add3A_234, %mul3A_235 : i32
      %get3A_237 = arith.index_cast %mul3A_236 : i32 to index
      %get3A_238 = tpu.vector_load %arg4[%get3A_237] {strides = array<i32>} : memref<3136xi32, #tpu.memory_space<vmem>>, vector<16xi32>,
      %shift_right_logical3A_239 = arith.constant 7 : i32
      %shift_right_logical3A_240 = vector.broadcast %shift_right_logical3A_239 : i32 to vector<16xi32>
      %shift_right_logical3A_241 = arith.shrui %get3A_238, %shift_right_logical3A_240 : vector<16xi32>
      %and3A_242 = arith.constant 127 : i32
      %and3A_243 = vector.broadcast %and3A_242 : i32 to vector<16xi32>
      %and3A_244 = arith.andi %get3A_238, %and3A_243 : vector<16xi32>
      tpu.vector_store_idx %arg5[%shift_right_logical3A_241, %and3A_244], %broadcast_in_dim3A_82 {add = true} : memref<240x128xi32, #tpu.memory_space<vmem>>[vector<16xi32>, vector<16xi32>], vector<16xi32>,
      %mul3A_245 = arith.constant 4 : i32
      %mul3A_246 = arith.muli %while3A_200, %mul3A_245 : i32
      %add3A_247 = arith.addi %select_n3A_111, %mul3A_246 : i32
      %add3A_248 = arith.constant 3 : i32
      %add3A_249 = arith.addi %add3A_247, %add3A_248 : i32
      %mul3A_250 = arith.constant 16 : i32
      %mul3A_251 = arith.muli %add3A_249, %mul3A_250 : i32
      %get3A_252 = arith.index_cast %mul3A_251 : i32 to index
      %get3A_253 = tpu.vector_load %arg4[%get3A_252] {strides = array<i32>} : memref<3136xi32, #tpu.memory_space<vmem>>, vector<16xi32>,
      %shift_right_logical3A_254 = arith.constant 7 : i32
      %shift_right_logical3A_255 = vector.broadcast %shift_right_logical3A_254 : i32 to vector<16xi32>
      %shift_right_logical3A_256 = arith.shrui %get3A_253, %shift_right_logical3A_255 : vector<16xi32>
      %and3A_257 = arith.constant 127 : i32
      %and3A_258 = vector.broadcast %and3A_257 : i32 to vector<16xi32>
      %and3A_259 = arith.andi %get3A_253, %and3A_258 : vector<16xi32>
      tpu.vector_store_idx %arg5[%shift_right_logical3A_256, %and3A_259], %broadcast_in_dim3A_82 {add = true} : memref<240x128xi32, #tpu.memory_space<vmem>>[vector<16xi32>, vector<16xi32>], vector<16xi32>,
      %while3A_260 = arith.constant 0 : i32
      scf.yield %while3A_260 : i32
    }
    %mul3A_185 = arith.constant 4 : i32
    %mul3A_186 = arith.muli %select_n3A_172, %mul3A_185 : i32
    %add3A_187 = arith.addi %select_n3A_111, %mul3A_186 : i32
    %while3A_188 = arith.constant 196 : i32
    %while3A_189 = arith.constant 0 : i32
    %while3A_190 = arith.subi %while3A_188, %add3A_187 : i32
    %while3A_191 = arith.addi %add3A_187, %while3A_190 : i32
    %while3A_192 = arith.constant 1 : i32
    %while3A_193 = arith.divsi %while3A_190, %while3A_192 : i32
    %while3A_194 = arith.muli %while3A_193, %while3A_192 : i32
    %while3A_195 = arith.addi %add3A_187, %while3A_194 : i32
    %while3A_196 = arith.constant 1 : i32
    %while3A_197 = scf.for %while3A_200 = %add3A_187 to %while3A_195 step %while3A_196 iter_args(%while3A_201 = %while3A_189) -> (i32)  : i32 {
      %mul3A_202 = arith.constant 16 : i32
      %mul3A_203 = arith.muli %while3A_200, %mul3A_202 : i32
      %add3A_204 = arith.addi %min3A_73, %mul3A_203 : i32
      %add3A_205 = vector.broadcast %add3A_204 : i32 to vector<16xi32>
      %add3A_206 = arith.addi %add3A_205, %iota3A : vector<16xi32>
      %ge3A = vector.broadcast %select_n3A : i32 to vector<16xi32>
      %ge3A_207 = arith.cmpi sge, %add3A_206, %ge3A : vector<16xi32>
      %lt3A = vector.broadcast %select_n3A_46 : i32 to vector<16xi32>
      %lt3A_208 = arith.cmpi slt, %add3A_206, %lt3A : vector<16xi32>
      %and3A_209 = arith.andi %ge3A_207, %lt3A_208 : vector<16xi1>
      %mul3A_210 = arith.constant 16 : i32
      %mul3A_211 = arith.muli %while3A_200, %mul3A_210 : i32
      %get3A = arith.index_cast %mul3A_211 : i32 to index
      %get3A_212 = tpu.vector_load %arg4[%get3A] {strides = array<i32>} : memref<3136xi32, #tpu.memory_space<vmem>>, vector<16xi32>,
      %shift_right_logical3A = arith.constant 7 : i32
      %shift_right_logical3A_213 = vector.broadcast %shift_right_logical3A : i32 to vector<16xi32>
      %shift_right_logical3A_214 = arith.shrui %get3A_212, %shift_right_logical3A_213 : vector<16xi32>
      %and3A_215 = arith.constant 127 : i32
      %and3A_216 = vector.broadcast %and3A_215 : i32 to vector<16xi32>
      %and3A_217 = arith.andi %get3A_212, %and3A_216 : vector<16xi32>
      tpu.vector_store_idx %arg5[%shift_right_logical3A_214, %and3A_217], %broadcast_in_dim3A_82 masked %and3A_209 {add = true} : memref<240x128xi32, #tpu.memory_space<vmem>>[vector<16xi32>, vector<16xi32>], vector<16xi32>, vector<16xi1>
      %while3A_218 = arith.constant 0 : i32
      scf.yield %while3A_218 : i32
    }
    %while3A_198 = arith.constant 1 : i32
    %while3A_199 = scf.for %while3A_200 = %while3A_195 to %while3A_191 step %while3A_198 iter_args(%while3A_201 = %while3A_197) -> (i32)  : i32 {
      %mul3A_202 = arith.constant 16 : i32
      %mul3A_203 = arith.muli %while3A_200, %mul3A_202 : i32
      %add3A_204 = arith.addi %min3A_73, %mul3A_203 : i32
      %add3A_205 = vector.broadcast %add3A_204 : i32 to vector<16xi32>
      %add3A_206 = arith.addi %add3A_205, %iota3A : vector<16xi32>
      %ge3A = vector.broadcast %select_n3A : i32 to vector<16xi32>
      %ge3A_207 = arith.cmpi sge, %add3A_206, %ge3A : vector<16xi32>
      %lt3A = vector.broadcast %select_n3A_46 : i32 to vector<16xi32>
      %lt3A_208 = arith.cmpi slt, %add3A_206, %lt3A : vector<16xi32>
      %and3A_209 = arith.andi %ge3A_207, %lt3A_208 : vector<16xi1>
      %mul3A_210 = arith.constant 16 : i32
      %mul3A_211 = arith.muli %while3A_200, %mul3A_210 : i32
      %get3A = arith.index_cast %mul3A_211 : i32 to index
      %get3A_212 = tpu.vector_load %arg4[%get3A] {strides = array<i32>} : memref<3136xi32, #tpu.memory_space<vmem>>, vector<16xi32>,
      %shift_right_logical3A = arith.constant 7 : i32
      %shift_right_logical3A_213 = vector.broadcast %shift_right_logical3A : i32 to vector<16xi32>
      %shift_right_logical3A_214 = arith.shrui %get3A_212, %shift_right_logical3A_213 : vector<16xi32>
      %and3A_215 = arith.constant 127 : i32
      %and3A_216 = vector.broadcast %and3A_215 : i32 to vector<16xi32>
      %and3A_217 = arith.andi %get3A_212, %and3A_216 : vector<16xi32>
      tpu.vector_store_idx %arg5[%shift_right_logical3A_214, %and3A_217], %broadcast_in_dim3A_82 masked %and3A_209 {add = true} : memref<240x128xi32, #tpu.memory_space<vmem>>[vector<16xi32>, vector<16xi32>], vector<16xi32>, vector<16xi1>
      %while3A_218 = arith.constant 0 : i32
      scf.yield %while3A_218 : i32
    }
    "tpu.region"() ({
      %run_scoped3A = tpu.sem_alloc : memref<!tpu.dma_semaphore, #tpu.memory_space<semaphore_mem>>
      %dma_start3A = arith.constant 0 : i32
      %dma_start3A_200 = arith.constant 0 : i32
      %dma_start3A_201 = tpu.memref_slice %arg3[%add3A, %dma_start3A, %dma_start3A_200] : memref<32x240x128xi32, #tpu.memory_space<hbm>> -> memref<1x240x128xi32, #tpu.memory_space<hbm>>
      %dma_start3A_202 = tpu.memref_squeeze %dma_start3A_201 : memref<1x240x128xi32, #tpu.memory_space<hbm>> -> memref<240x128xi32, #tpu.memory_space<hbm>>
      %dma_start3A_203 = arith.constant 0 : i32
      %dma_start3A_204 = arith.constant 0 : i32
      %dma_start3A_205 = tpu.memref_slice %arg3[%add3A, %dma_start3A_203, %dma_start3A_204] : memref<32x240x128xi32, #tpu.memory_space<hbm>> -> memref<1x240x128xi32, #tpu.memory_space<hbm>>
      %dma_start3A_206 = tpu.memref_squeeze %dma_start3A_205 : memref<1x240x128xi32, #tpu.memory_space<hbm>> -> memref<240x128xi32, #tpu.memory_space<hbm>>
      tpu.enqueue_dma source(%arg5 : memref<240x128xi32, #tpu.memory_space<vmem>>) target(%dma_start3A_206 : memref<240x128xi32, #tpu.memory_space<hbm>>) target_semaphore(%run_scoped3A : memref<!tpu.dma_semaphore, #tpu.memory_space<semaphore_mem>>)
      %dma_wait3A = arith.constant 0 : i32
      %dma_wait3A_207 = arith.constant 0 : i32
      %dma_wait3A_208 = tpu.memref_slice %arg3[%add3A, %dma_wait3A, %dma_wait3A_207] : memref<32x240x128xi32, #tpu.memory_space<hbm>> -> memref<1x240x128xi32, #tpu.memory_space<hbm>>
      %dma_wait3A_209 = tpu.memref_squeeze %dma_wait3A_208 : memref<1x240x128xi32, #tpu.memory_space<hbm>> -> memref<240x128xi32, #tpu.memory_space<hbm>>
      %dma_wait3A_210 = arith.constant 0 : i32
      %dma_wait3A_211 = arith.constant 0 : i32
      %dma_wait3A_212 = tpu.memref_slice %arg3[%add3A, %dma_wait3A_210, %dma_wait3A_211] : memref<32x240x128xi32, #tpu.memory_space<hbm>> -> memref<1x240x128xi32, #tpu.memory_space<hbm>>
      %dma_wait3A_213 = tpu.memref_squeeze %dma_wait3A_212 : memref<1x240x128xi32, #tpu.memory_space<hbm>> -> memref<240x128xi32, #tpu.memory_space<hbm>>
      tpu.wait_dma2 semaphore(%run_scoped3A : memref<!tpu.dma_semaphore, #tpu.memory_space<semaphore_mem>>) src(%arg5 : memref<240x128xi32, #tpu.memory_space<vmem>>) dst(%dma_wait3A_213 : memref<240x128xi32, #tpu.memory_space<hbm>>)
      tpu.yield
    }) : () -> ()
    return
  }
}

module attributes {stable_mosaic.version = 14 : i64} {
  func.func @_tc_contract_body(%arg0: i32, %arg1: memref<32x80x128xi32, #tpu.memory_space<vmem>>, %arg2: memref<10240x128xf32, #tpu.memory_space<vmem>>, %arg3: memref<128x128xf32, #tpu.memory_space<vmem>>, %arg4: memref<1x128xf32, #tpu.memory_space<vmem>>, %arg5: memref<128x768xf32, #tpu.memory_space<vmem>>, %arg6: memref<1x768xf32, #tpu.memory_space<vmem>>, %arg7: memref<768xf32, #tpu.memory_space<vmem>>, %arg8: memref<1x128xf32, #tpu.memory_space<vmem>>) attributes {dimension_semantics = [#tpu.dimension_semantics<arbitrary>], iteration_bounds = array<i64: 3>, scalar_prefetch = 0 : i64, scratch_operands = 1 : i64, tpu.core_type = #tpu.core_type<tc>, window_params = [{transform_indices = @transform_0, window_bounds = array<i64: 32, 80, 128>}, {transform_indices = @transform_1, window_bounds = array<i64: 10240, 128>}, {pipeline_mode = #tpu.pipeline_mode<synchronous>, transform_indices = @transform_2, window_bounds = array<i64: 128, 128>}, {pipeline_mode = #tpu.pipeline_mode<synchronous>, transform_indices = @transform_3, window_bounds = array<i64: 1, 128>}, {pipeline_mode = #tpu.pipeline_mode<synchronous>, transform_indices = @transform_4, window_bounds = array<i64: 128, 768>}, {pipeline_mode = #tpu.pipeline_mode<synchronous>, transform_indices = @transform_5, window_bounds = array<i64: 1, 768>}, {pipeline_mode = #tpu.pipeline_mode<synchronous>, transform_indices = @transform_6, window_bounds = array<i64: 768>}]} {
    %eq3A = arith.constant 0 : i32
    %eq3A_0 = arith.cmpi eq, %arg0, %eq3A : i32
    %convert_element_type3A = arith.extui %eq3A_0 : i1 to i32
    %cond3A = arith.constant 0 : i32
    %cond3A_1 = arith.cmpi ne, %convert_element_type3A, %cond3A : i32
    scf.if %cond3A_1 {
      %broadcast_in_dim3A = arith.constant 0.000000e+00 : f32
      %broadcast_in_dim3A_21 = vector.broadcast %broadcast_in_dim3A : f32 to vector<1x128xf32>
      %swap3A = arith.constant 0 : index
      %swap3A_22 = arith.constant 0 : index
      %swap3A_23 = vector.load %arg8[%swap3A, %swap3A_22] : memref<1x128xf32, #tpu.memory_space<vmem>>, vector<1x128xf32>
      tpu.vector_store %arg8[%swap3A, %swap3A_22], %broadcast_in_dim3A_21 {strides = array<i32>} : memref<1x128xf32, #tpu.memory_space<vmem>>, vector<1x128xf32>,
    } else {
    }
    %get3A = arith.constant 0 : index
    %get3A_2 = arith.constant 0 : index
    %get3A_3 = arith.constant 0 : index
    %get3A_4 = vector.load %arg1[%get3A, %get3A_2, %get3A_3] : memref<32x80x128xi32, #tpu.memory_space<vmem>>, vector<32x80x128xi32>
    %reduce_sum3A = arith.constant dense<0> : vector<80x128xi32>
    %reduce_sum3A_5 = vector.multi_reduction <add>, %get3A_4, %reduce_sum3A [0] : vector<32x80x128xi32> to vector<80x128xi32>
    %convert_element_type3A_6 = arith.sitofp %reduce_sum3A_5 : vector<80x128xi32> to vector<80x128xbf16>
    %reshape3A = vector.shape_cast %convert_element_type3A_6 : vector<80x128xbf16> to vector<1x10240xbf16>
    %lt3A = arith.constant 2 : i32
    %lt3A_7 = arith.cmpi slt, %arg0, %lt3A : i32
    %convert_element_type3A_8 = arith.extui %lt3A_7 : i1 to i32
    %cond3A_9 = arith.constant 0 : i32
    %cond3A_10 = arith.cmpi ne, %convert_element_type3A_8, %cond3A_9 : i32
    scf.if %cond3A_10 {
      %get3A_21 = arith.constant 0 : index
      %get3A_22 = arith.constant 0 : index
      %get3A_23 = vector.load %arg8[%get3A_21, %get3A_22] : memref<1x128xf32, #tpu.memory_space<vmem>>, vector<1x128xf32>
      %get3A_24 = arith.constant 0 : index
      %get3A_25 = arith.constant 0 : index
      %get3A_26 = vector.load %arg2[%get3A_24, %get3A_25] : memref<10240x128xf32, #tpu.memory_space<vmem>>, vector<10240x128xf32>
      %convert_element_type3A_27 = arith.truncf %get3A_26 : vector<10240x128xf32> to vector<10240x128xbf16>
      %dot_general3A = arith.constant dense<0.000000e+00> : vector<1x128xf32>
      %dot_general3A_28 = tpu.matmul %reshape3A, %convert_element_type3A_27, %dot_general3A {dimension_numbers = #tpu.dot_dimension_numbers<[1], [0], [0], [1], [0, 0, 1, 1], [], []>, transpose_lhs_hint = false} : vector<1x10240xbf16>, vector<10240x128xbf16>, vector<1x128xf32> -> vector<1x128xf32>
      %add3A = arith.addf %get3A_23, %dot_general3A_28 : vector<1x128xf32>
      %swap3A = arith.constant 0 : index
      %swap3A_29 = arith.constant 0 : index
      %swap3A_30 = vector.load %arg8[%swap3A, %swap3A_29] : memref<1x128xf32, #tpu.memory_space<vmem>>, vector<1x128xf32>
      tpu.vector_store %arg8[%swap3A, %swap3A_29], %add3A {strides = array<i32>} : memref<1x128xf32, #tpu.memory_space<vmem>>, vector<1x128xf32>,
    } else {
    }
    %eq3A_11 = arith.constant 2 : i32
    %eq3A_12 = arith.cmpi eq, %arg0, %eq3A_11 : i32
    %convert_element_type3A_13 = arith.extui %eq3A_12 : i1 to i32
    %cond3A_14 = arith.constant 0 : i32
    %cond3A_15 = arith.cmpi ne, %convert_element_type3A_13, %cond3A_14 : i32
    scf.if %cond3A_15 {
      %iota3A = tpu.iota {dimensions = array<i32: 0>} : vector<10240x128xi32>
      %mul3A = arith.constant 10240 : i32
      %mul3A_21 = arith.muli %arg0, %mul3A : i32
      %add3A = vector.broadcast %mul3A_21 : i32 to vector<10240x128xi32>
      %add3A_22 = arith.addi %iota3A, %add3A : vector<10240x128xi32>
      %lt3A_23 = arith.constant 30522 : i32
      %lt3A_24 = vector.broadcast %lt3A_23 : i32 to vector<10240x128xi32>
      %lt3A_25 = arith.cmpi slt, %add3A_22, %lt3A_24 : vector<10240x128xi32>
      %get3A_26 = arith.constant 0 : index
      %get3A_27 = arith.constant 0 : index
      %get3A_28 = vector.load %arg2[%get3A_26, %get3A_27] : memref<10240x128xf32, #tpu.memory_space<vmem>>, vector<10240x128xf32>
      %jit3A = arith.constant 0.000000e+00 : f32
      %broadcast_in_dim3A = vector.broadcast %jit3A : f32 to vector<10240x128xf32>
      %select_n3A = arith.select %lt3A_25, %get3A_28, %broadcast_in_dim3A : vector<10240x128xi1>, vector<10240x128xf32>
      %convert_element_type3A_29 = arith.truncf %select_n3A : vector<10240x128xf32> to vector<10240x128xbf16>
      %get3A_30 = arith.constant 0 : index
      %get3A_31 = arith.constant 0 : index
      %get3A_32 = vector.load %arg8[%get3A_30, %get3A_31] : memref<1x128xf32, #tpu.memory_space<vmem>>, vector<1x128xf32>
      %dot_general3A = arith.constant dense<0.000000e+00> : vector<1x128xf32>
      %dot_general3A_33 = tpu.matmul %reshape3A, %convert_element_type3A_29, %dot_general3A {dimension_numbers = #tpu.dot_dimension_numbers<[1], [0], [0], [1], [0, 0, 1, 1], [], []>, transpose_lhs_hint = false} : vector<1x10240xbf16>, vector<10240x128xbf16>, vector<1x128xf32> -> vector<1x128xf32>
      %add3A_34 = arith.addf %get3A_32, %dot_general3A_33 : vector<1x128xf32>
      %swap3A = arith.constant 0 : index
      %swap3A_35 = arith.constant 0 : index
      %swap3A_36 = vector.load %arg8[%swap3A, %swap3A_35] : memref<1x128xf32, #tpu.memory_space<vmem>>, vector<1x128xf32>
      tpu.vector_store %arg8[%swap3A, %swap3A_35], %add3A_34 {strides = array<i32>} : memref<1x128xf32, #tpu.memory_space<vmem>>, vector<1x128xf32>,
    } else {
    }
    %eq3A_16 = arith.constant 2 : i32
    %eq3A_17 = arith.cmpi eq, %arg0, %eq3A_16 : i32
    %convert_element_type3A_18 = arith.extui %eq3A_17 : i1 to i32
    %cond3A_19 = arith.constant 0 : i32
    %cond3A_20 = arith.cmpi ne, %convert_element_type3A_18, %cond3A_19 : i32
    scf.if %cond3A_20 {
      %get3A_21 = arith.constant 0 : index
      %get3A_22 = arith.constant 0 : index
      %get3A_23 = vector.load %arg8[%get3A_21, %get3A_22] : memref<1x128xf32, #tpu.memory_space<vmem>>, vector<1x128xf32>
      %mul3A = arith.constant 9.99999974E-6 : f32
      %mul3A_24 = vector.broadcast %mul3A : f32 to vector<1x128xf32>
      %mul3A_25 = arith.mulf %get3A_23, %mul3A_24 : vector<1x128xf32>
      %get3A_26 = arith.constant 0 : index
      %get3A_27 = arith.constant 0 : index
      %get3A_28 = vector.load %arg3[%get3A_26, %get3A_27] : memref<128x128xf32, #tpu.memory_space<vmem>>, vector<128x128xf32>
      %dot_general3A = arith.constant dense<0.000000e+00> : vector<1x128xf32>
      %dot_general3A_29 = tpu.matmul %mul3A_25, %get3A_28, %dot_general3A {dimension_numbers = #tpu.dot_dimension_numbers<[1], [0], [0], [1], [0, 0, 1, 1], [], []>, precision = #tpu.contract_precision<fp32>, transpose_lhs_hint = false} : vector<1x128xf32>, vector<128x128xf32>, vector<1x128xf32> -> vector<1x128xf32>
      %get3A_30 = arith.constant 0 : index
      %get3A_31 = arith.constant 0 : index
      %get3A_32 = vector.load %arg4[%get3A_30, %get3A_31] : memref<1x128xf32, #tpu.memory_space<vmem>>, vector<1x128xf32>
      %add3A = arith.addf %dot_general3A_29, %get3A_32 : vector<1x128xf32>
      %get3A_33 = arith.constant 0 : index
      %get3A_34 = arith.constant 0 : index
      %get3A_35 = vector.load %arg5[%get3A_33, %get3A_34] : memref<128x768xf32, #tpu.memory_space<vmem>>, vector<128x768xf32>
      %dot_general3A_36 = arith.constant dense<0.000000e+00> : vector<1x768xf32>
      %dot_general3A_37 = tpu.matmul %add3A, %get3A_35, %dot_general3A_36 {dimension_numbers = #tpu.dot_dimension_numbers<[1], [0], [0], [1], [0, 0, 1, 1], [], []>, precision = #tpu.contract_precision<fp32>, transpose_lhs_hint = false} : vector<1x128xf32>, vector<128x768xf32>, vector<1x768xf32> -> vector<1x768xf32>
      %get3A_38 = arith.constant 0 : index
      %get3A_39 = arith.constant 0 : index
      %get3A_40 = vector.load %arg6[%get3A_38, %get3A_39] : memref<1x768xf32, #tpu.memory_space<vmem>>, vector<1x768xf32>
      %add3A_41 = arith.addf %dot_general3A_37, %get3A_40 : vector<1x768xf32>
      %reshape3A_42 = vector.shape_cast %add3A_41 : vector<1x768xf32> to vector<768xf32>
      %swap3A = arith.constant 0 : index
      %swap3A_43 = vector.load %arg7[%swap3A] : memref<768xf32, #tpu.memory_space<vmem>>, vector<768xf32>
      tpu.vector_store %arg7[%swap3A], %reshape3A_42 {strides = array<i32>} : memref<768xf32, #tpu.memory_space<vmem>>, vector<768xf32>,
    } else {
    }
    return
  }
  func.func @transform_0(%arg0: i32) -> (i32, i32, i32) {
    %c0_i32 = arith.constant 0 : i32
    %c0_i32_0 = arith.constant 0 : i32
    %c0_i32_1 = arith.constant 0 : i32
    return %c0_i32, %arg0, %c0_i32_0 : i32, i32, i32
  }
  func.func @transform_1(%arg0: i32) -> (i32, i32) {
    %c0_i32 = arith.constant 0 : i32
    %c0_i32_0 = arith.constant 0 : i32
    return %arg0, %c0_i32 : i32, i32
  }
  func.func @transform_2(%arg0: i32) -> (i32, i32) {
    %c0_i32 = arith.constant 0 : i32
    %c0_i32_0 = arith.constant 0 : i32
    %c0_i32_1 = arith.constant 0 : i32
    return %c0_i32, %c0_i32_0 : i32, i32
  }
  func.func @transform_3(%arg0: i32) -> (i32, i32) {
    %c0_i32 = arith.constant 0 : i32
    %c0_i32_0 = arith.constant 0 : i32
    %c0_i32_1 = arith.constant 0 : i32
    return %c0_i32, %c0_i32_0 : i32, i32
  }
  func.func @transform_4(%arg0: i32) -> (i32, i32) {
    %c0_i32 = arith.constant 0 : i32
    %c0_i32_0 = arith.constant 0 : i32
    %c0_i32_1 = arith.constant 0 : i32
    return %c0_i32, %c0_i32_0 : i32, i32
  }
  func.func @transform_5(%arg0: i32) -> (i32, i32) {
    %c0_i32 = arith.constant 0 : i32
    %c0_i32_0 = arith.constant 0 : i32
    %c0_i32_1 = arith.constant 0 : i32
    return %c0_i32, %c0_i32_0 : i32, i32
  }
  func.func @transform_6(%arg0: i32) -> i32 {
    %c0_i32 = arith.constant 0 : i32
    %c0_i32_0 = arith.constant 0 : i32
    return %c0_i32 : i32
  }
}

</mosaic_0001>

<sc_bundles>
// kernel: kernel.4.cloned.1.call-start
scs
__scs_entry_jumppad:
0x0: {  	(pc) =	sbr.rel $0x88, $3  }
0x1: {  	(tag) =	ssettag $0x0;
	lr =	simm.s32 $0x1  }
0x2: {  	[smem:$0x3F9B] =	sst lr;
	_ =	strace $0xD0000000  }
0x3: {  	_ = 	snop  }
0x4: {  	_ = 	snop  }
0x5: {  	_ = 	snop  }
0x6: {  	_ = 	snop  }
0x7: {  	_ = 	snop  }
__scs_overlays_trampoline_lowered:
0x8: {  	[smem:$0x3FAA] =	sst s0  }
0x9: {  	[smem:$0x3FAB] =	sst s1  }
0xa: {  	[smem:$0x3FAC] =	sst s2  }
0xb: {  	[smem:$0x3FAD] =	sst s3  }
0xc: {  	[smem:$0x3FAE] =	sst s4  }
0xd: {  	[smem:$0x3FAF] =	sst s5  }
0xe: {  	[smem:$0x3FB0] =	sst s6  }
0xf: {  	[smem:$0x3FB1] =	sst s7  }
0x10: {  	[smem:$0x3FB2] =	sst s8  }
0x11: {  	[smem:$0x3FB3] =	sst s9;
	s0 =	simm.s32 @!p0 $0x0  }
0x12: {  	s1 =	sld [smem:$0x3F99];
	s0 =	simm.s32 @p0 $0x1  }
0x13: {  	[smem:$0x3FB4] =	sst s0;
	s0 =	simm.s32 @!p1 $0x0  }
0x14: {  	s2 =	sld [smem:$0x3F98];
	s0 =	simm.s32 @p1 $0x1  }
0x15: {  	[smem:$0x3FB5] =	sst s0;
	s0 =	simm.s32 @!p2 $0x0  }
0x16: {  	s3 =	sld [smem:$0x3FDB];
	s0 =	simm.s32 @p2 $0x1  }
0x17: {  	s4 =	simm.s32 $0x1BF5;
	[smem:$0x3FB7] =	sst s0  }
0x18: {  	s0 =	sld [smem:$0x3F9A];
	_ =	swait.ge [sflag:s4], $0x0  }
0x19: {  	s7 =	sld [smem:$0x3F9B]  }
0x1a: {  	s8 =	sadd.s32 $0xFFFFE003, lr  }
0x1b: {  	s9 =	sadd.s32 $0xFFFFFEF7, lr;
	s5 =	simm.s32 $0xFFFFFFFF;
	p2 =	slt.u32 s8, $0xFFFFF086  }
0x1c: {  	p1 =	slt.u32 s9, $0xF7A;
	s5 =	simm.s32 @!p2 $0x0  }
0x1d: {  	s5 =	simm.s32 @p1 $0x1;
	p0 =	seq.s32 s7, s2  }
0x1e: {  	s7 =	smul.u32 @!p0 $0xF7A, s2;
	p2 =	seq.s32 @!p0 s5, $0x0  }
0x1f: {  	s9 =	smul.u32 $0xF7A, s1;
	s8 =	simm.s32 @!p0 $0x1BF5;
	p2 =	por !p2, p0  }
0x20: {  	[sflag:s8] =	ssyncset.s32 @!p0 $0xFFFFF086;
	s6 =	sadd.s32 @!p0 s3, s7;
	s7 =	simm.s32 @!p0 $0x108  }
0x21: {  	s3 =	sadd.s32 s3, s9;
	s6 =	sadd.s32 @!p0 $0x88, s6;
	s7 =	simm.s32 @p2 $0x1082  }
0x22: {  	[simem:s7], [sflag:s8] =	dma.local @!p0 [hbm:s6], $0xF7A  }
0x23: {  	s9 =	sor.u32 $0xD0000000, s2;
	s6 =	simm.s32 $0x108;
	_ =	swait.ge @!p0 [sflag:s8], $0x0  }
0x24: {  	s3 =	sadd.s32 $0x88, s3;
	s6 =	simm.s32 @!p1 $0x1082;
	[sflag:s4] =	ssyncset.s32 $0xFFFFF086  }
0x25: {  	[simem:s6], [sflag:s4] =	dma.local [hbm:s3], $0xF7A  }
0x26: {  	[smem:$0x3F9B] =	sst s1;
	(tag) =	ssettag s2;
	_ =	strace s9  }
0x27: {  	s1 =	sld [smem:$0x3FAB]  }
0x28: {  	s2 =	sld [smem:$0x3FAC]  }
0x29: {  	s4 =	sld [smem:$0x3FAE]  }
0x2a: {  	p0 =	seq.s32 s5, $0x0;
	s5 =	sld [smem:$0x3FAF]  }
0x2b: {  	s6 =	sld [smem:$0x3FB0]  }
0x2c: {  	s7 =	sld [smem:$0x3FB1]  }
0x2d: {  	s3 =	simm.s32 $0x108;
	s8 =	sld [smem:$0x3FB2]  }
0x2e: {  	s3 =	simm.s32 @!p0 $0x1082;
	s9 =	sld [smem:$0x3FB3]  }
0x2f: {  	lr =	sadd.s32 s0, s3;
	s0 =	sld [smem:$0x3FAA]  }
0x30: {  	s3 =	sld [smem:$0x3FAD]  }
0x31: {  	[smem:$0x3FB6] =	sst s10  }
0x32: {  	s10 =	sld [smem:$0x3FB4];
	_ =	sdelay $0x3  }
0x33: {  	p0 =	seq.s32 s10, $0x1;
	s10 =	sld [smem:$0x3FB6];
	_ =	sdelay $0x3  }
0x34: {  	[smem:$0x3FB6] =	sst s10  }
0x35: {  	s10 =	sld [smem:$0x3FB5];
	_ =	sdelay $0x3  }
0x36: {  	p1 =	seq.s32 s10, $0x1;
	s10 =	sld [smem:$0x3FB6];
	_ =	sdelay $0x3  }
0x37: {  	[smem:$0x3FB6] =	sst s10  }
0x38: {  	s10 =	sld [smem:$0x3FB7]  }
0x39: {  	_ = 	snop;
	(pc) =	sbr.ind lr, $3  }
0x3a: {  	_ = 	snop  }
0x3b: {  	_ = 	snop  }
0x3c: {  	p2 =	seq.s32 s10, $0x1;
	s10 =	sld [smem:$0x3FB6]  }
0x3d: {  	_ =	shalt  }
0x3e: {  	_ =	shalt  }
0x3f: {  	_ =	shalt  }
0x40: {  	_ =	shalt  }
0x41: {  	_ =	shalt  }
0x42: {  	_ =	shalt  }
0x43: {  	_ =	shalt  }
0x44: {  	_ =	shalt  }
0x45: {  	_ =	shalt  }
0x46: {  	_ =	shalt  }
0x47: {  	_ =	shalt  }
0x48: {  	_ =	shalt  }
0x49: {  	_ =	shalt  }
0x4a: {  	_ =	shalt  }
0x4b: {  	_ =	shalt  }
0x4c: {  	_ =	shalt  }
0x4d: {  	_ =	shalt  }
0x4e: {  	_ =	shalt  }
0x4f: {  	_ =	shalt  }
0x50: {  	_ =	shalt  }
0x51: {  	_ =	shalt  }
0x52: {  	_ =	shalt  }
0x53: {  	_ =	shalt  }
0x54: {  	_ =	shalt  }
0x55: {  	_ =	shalt  }
0x56: {  	_ =	shalt  }
0x57: {  	_ =	shalt  }
0x58: {  	_ =	shalt  }
0x59: {  	_ =	shalt  }
0x5a: {  	_ =	shalt  }
0x5b: {  	_ =	shalt  }
0x5c: {  	_ =	shalt  }
0x5d: {  	_ =	shalt  }
0x5e: {  	_ =	shalt  }
0x5f: {  	_ =	shalt  }
0x60: {  	_ =	shalt  }
0x61: {  	_ =	shalt  }
0x62: {  	_ =	shalt  }
0x63: {  	_ =	shalt  }
0x64: {  	_ =	shalt  }
0x65: {  	_ =	shalt  }
0x66: {  	_ =	shalt  }
0x67: {  	_ =	shalt  }
0x68: {  	_ =	shalt  }
0x69: {  	_ =	shalt  }
0x6a: {  	_ =	shalt  }
0x6b: {  	_ =	shalt  }
0x6c: {  	_ =	shalt  }
0x6d: {  	_ =	shalt  }
0x6e: {  	_ =	shalt  }
0x6f: {  	_ =	shalt  }
0x70: {  	_ =	shalt  }
0x71: {  	_ =	shalt  }
0x72: {  	_ =	shalt  }
0x73: {  	_ =	shalt  }
0x74: {  	_ =	shalt  }
0x75: {  	_ =	shalt  }
0x76: {  	_ =	shalt  }
0x77: {  	_ =	shalt  }
0x78: {  	_ =	shalt  }
0x79: {  	_ =	shalt  }
0x7a: {  	_ =	shalt  }
0x7b: {  	_ =	shalt  }
0x7c: {  	_ =	shalt  }
0x7d: {  	_ =	shalt  }
0x7e: {  	_ =	shalt  }
0x7f: {  	_ =	shalt  }
0x80: {  	_ =	shalt  }
0x81: {  	_ =	shalt  }
0x82: {  	_ =	shalt  }
0x83: {  	_ =	shalt  }
0x84: {  	_ =	shalt  }
0x85: {  	_ =	shalt  }
0x86: {  	_ =	shalt  }
0x87: {  	_ =	shalt  }
.Lfunc_end0:
.L_simem_size_0:
called_computation_lowered:
.L_overlay_start_0:
0x88: {  	s2 =	sld [smem:$0x3FD9]  }
0x89: {  	s3 =	sld [smem:$0x3FFE];
	_ =	sdelay $0x1  }
0x8a: {  	s1 =	srdreg.scid  }
0x8b: {  	s0 =	sand.u32 $0x1, s1  }
0x8c: {  	s17 =	sshll.u32 s0, $0xA;
	s2 =	sadd.s32 s3, s2  }
0x8d: {  	s2 =	sadd.s32 s2, s17  }
0x8e: {  	[smem:$0x3FC2] =	sst s2  }
0x8f: {  	_ = 	snop  }
0x90: {  	s2 =	sld [smem:$0x3FC9];
	(tm) =	ssettm $0x1  }
0x91: {  	s18 =	sld [smem:$0x3FFB];
	_ =	sdelay $0x3  }
0x92: {  	_ =	strace s18  }
0x93: {  	s3 =	sld [smem:$0x3FFC];
	_ =	sdelay $0x3  }
0x94: {  	_ =	strace s3  }
0x95: {  	s3 =	sld [smem:$0x3FFD];
	_ =	sdelay $0x3  }
0x96: {  	_ =	strace s3  }
0x97: {  	_ =	strace $0x8FFFFFFF  }
0x98: {  	s19 =	sld [smem:$0x3FDB];
	_ =	sdelay $0x1  }
0x99: {  	s4 =	simm.s32 $_scs_section_size  }
0x9a: {  	s5 =	simm.s32 $_size__tile_overlayer_lowered;
	s6 =	simm.s32 $_tile_overlayer_lowered  }
0x9b: {  	s22 =	simm.s32 $0x1BFF;
	s21 =	sshll.u32 s6, $0x1;
	s3 =	sadd.s32 s4, s19  }
0x9c: {  	s7 =	simm.s32 $0x0;
	s20 =	sshll.u32 s5, $0x1;
	s5 =	sadd.s32 s21, s3  }
0x9d: {  	[timem:s7], [sflag:s22] =	dma.local [hbm:s5], s20  }
0x9e: {  	_ =	swait.ge [sflag:s22], s20  }
0x9f: {  	s4 =	ssub.s32 $0x0, s20;
	[sflag:s22] =	ssyncset.done $0x0  }
0xa0: {  	[sflag:s22] =	ssyncadd.s32 s4;
	_ =	sdelay $0x1  }
0xa1: {  	s23 =	simm.s32 $0x1B8B  }
0xa2: {  	_ =	swait.ge [sflag:s23], $0x1  }
0xa3: {  	[sflag:s23] =	ssyncset.done $0x0  }
0xa4: {  	s25 =	simm.s32 $0x1B8E;
	s24 =	sld [smem:$0x3FFE];
	[sflag:s23] =	ssyncadd.s32 $0xFFFFFFFF  }
0xa5: {  	s26 =	simm.s32 $execute0_lowered;
	[smem:$0x3FD2] =	sst s25  }
0xa6: {  	s5 =	sshll.u32 s26, $0x1;
	_ =	strace $0x80000046;
	[dreg:$0x1] =	wrdreg $0xFFFFFFFF  }
0xa7: {  	s28 =	simm.s32 $_size_execute0_lowered;
	s3 =	sadd.s32 s3, s5;
	[dreg:$0x0] =	wrdreg $0x0  }
0xa8: {  	s5 =	sshll.u32 s28, $0x1;
	[dreg:$0x2] =	wrdreg s3  }
0xa9: {  	[dreg:$0x3] =	wrdreg s5  }
0xaa: {  	[dreg:$0x4] =	wrdreg $0xC0  }
0xab: {  	_ =	task [dreg:s7], $0x5FFFF  }
0xac: {  	[dreg:$0x1] =	wrdreg $0xFFFFFFFF  }
0xad: {  	[dreg:$0x0] =	wrdreg $0x60  }
0xae: {  	[dreg:$0x2] =	wrdreg s2  }
0xaf: {  	[dreg:$0x3] =	wrdreg s24  }
0xb0: {  	[dreg:$0x4] =	wrdreg $0x9  }
0xb1: {  	_ =	task.clear_ibuf [dreg:s7], $0x5FFFF;
	_ =	strace $0x90000046  }
0xb2: {  	s29 =	simm.s32 $0x9;
	_ =	strace $0x80000048  }
0xb3: {  	_ =	swait.ge [sflag:s29], $0x1  }
0xb4: {  	[sflag:s29] =	ssyncadd.s32 $0xFFFFFFFF  }
0xb5: {  	_ =	strace $0x90000048  }
0xb6: {  	_ =	sfence  }
0xb7: {  	s30 =	sld [smem:$0x0];
	_ =	sdelay $0x2  }
0xb8: {  	s31 =	sshll.u32 s1, $0xD;
	s1 =	sshrl.u32 s1, $0x2  }
0xb9: {  	s3 =	sand.u32 $0x4000, s31;
	s1 =	sadd.s32 s1, s30  }
0xba: {  	s0 =	sor.u32 s3, s0;
	s1 =	sshll.u32 s1, $0x11  }
0xbb: {  	s0 =	sor.u32 s1, s0  }
0xbc: {  	s0 =	sadd.s32 $0x8F2B, s0  }
0xbd: {  	[sflag:s0] =	ssyncadd.remote.s32 $0x1  }
0xbe: {  	_ =	sfence.sel $0xFFFF  }
0xbf: {  	[dreg:$0x0] =	wrdreg $0xFFFFFFFF;
	(pc) =	sbr.abs _section_cstart, $3  }
0xc0: {  	[dreg:$0x1] =	wrdreg $0xFFFFFFFF  }
0xc1: {  	_ =	task.clear_ibuf [dreg:s7], $0x2FFFF;
	_ =	strace $0x9FFFFFFF  }
0xc2: {  	(tm) =	ssettm $0x7FFFFFFF  }
0xc3: {  	_ =	shalt  }
tec
execute0_lowered:
.L_overlay_start_1:
0x0: {  	(tag) =	ssettag $0x1  }
0x1: {  	s1 =	srdreg.scid;
	s5 =	rddreg [dreg:$0x0]  }
0x2: {  	s0 =	stileid.u32;
	s7 =	rddreg [dreg:$0x1]  }
0x3: {  	s2 =	simm.s32 $0x0;
	s4 =	sand.u32 $0x1, s1;
	s26 =	sshll.u32 s0, $0x1  }
0x4: {  	s1 =	rddreg [dreg:$0x2];
	s25 =	smul.u32 $0x30D40, s0;
	s3 =	sor.u32 s4, s26  }
0x5: {  	[smem:$0x7FF] =	sst s2;
	s31 =	ssub.s32 $0x2, s4;
	s6 =	smul.u32 $0x186A0, s3  }
0x6: {  	_ =	strace $0x80000047;
	s12 =	smul.u32 $0xF00, s3;
	s18 =	sshrl.u32 s31, $0x1  }
0x7: {  	s26 =	smul.u32 $0x186A0, s4;
	s19 =	ssub.s32 s31, s18;
	s13 =	sshrl.u32 s6, $0x5  }
0x8: {  	s29 =	sadd.s32 $0x186A0, s6;
	s7 =	sadd.s32 s12, s7;
	s28 =	sand.u32 $0x1FFF8, s13  }
0x9: {  	s14 =	sshrl.u32 s29, $0x5;
	s7 =	sadd.s32 $0x1000, s7;
	s8 =	smin.u32 s28, $0x17A60  }
0xa: {  	s9 =	ssub.s32 s13, s8;
	s16 =	ssub.s32 s14, s8;
	p1 =	sne.s32 s14, s8  }
0xb: {  	v1 =	vmov s14;
	s23 =	sshrl.u32 s8, $0x3;
	s14 =	simm.s32 $0xC80;
	s10 =	sadd.s32 $0xF, s9  }
0xc: {  	p0 =	slt.s32 s9, $0xFFFFFFF2;
	s17 =	sshra.s32 s16, $0x1F;
	s11 =	sshra.s32 s10, $0x1F  }
0xd: {  	s9 =	simm.s32 $0x1;
	s4 =	sadd.s32 s5, s23;
	s30 =	sshrl.u32 s11, $0x1C  }
0xe: {  	s15 =	sand.u32 $0xF, s10;
	s6 =	sadd.s32 s30, s10;
	s10 =	simm.s32 $0x1  }
0xf: {  	s5 =	simm.s32 $0x1;
	p2 =	sne.s32 s15, $0x0;
	s10 =	simm.s32 @!p1 $0x0  }
0x10: {  	s15 =	sand.u32 $0xF, s16;
	p0 =	por !p0, !p2;
	s10 =	sor.u32 s10, s17  }
0x11: {  	p4 =	sne.s32 s15, $0x0;
	s3 =	sshra.s32 s6, $0x4;
	p3 =	sne.s32 s10, $0x1  }
0x12: {  	p0 =	por !p0, !p0;
	s6 =	sshrl.u32 s17, $0x1C;
	p1 =	por !p4, !p3  }
0x13: {  	s6 =	sadd.s32 s6, s16;
	s10 =	simm.s32 $0x1;
	p1 =	por !p1, !p1  }
0x14: {  	s6 =	sshra.s32 s6, $0x4;
	s10 =	simm.s32 @!p0 $0x0;
	s9 =	simm.s32 @!p1 $0x0  }
0x15: {  	s15 =	simm.s32 $0x0;
	s3 =	ssub.s32 s3, s10;
	s6 =	ssub.s32 s6, s9  }
0x16: {  	s10 =	ssub.s32 s6, s3;
	p0 =	sne.s32 s6, s3;
	s6 =	simm.s32 $0x1  }
0x17: {  	s20 =	sshll.u32 s10, $0x10;
	s21 =	sshra.s32 s10, $0x1F;
	s6 =	simm.s32 @!p0 $0x0  }
0x18: {  	s22 =	sand.u32 $0x3, s10;
	s11 =	sshra.s32 s20, $0x1F;
	s6 =	sor.u32 s6, s21  }
0x19: {  	p6 =	sne.s32 s22, $0x0;
	s11 =	sand.u32 $0x3, s11;
	p5 =	sne.s32 s6, $0x1  }
0x1a: {  	s28 =	sshll.u32 s3, $0x6;
	s10 =	sadd.s32 s11, s10;
	p0 =	por !p6, !p5  }
0x1b: {  	s11 =	sadd.s32 s26, s25;
	s24 =	sshll.u32 s10, $0x10;
	p0 =	por !p0, !p0  }
0x1c: {  	s10 =	simm.s32 $0x1;
	s11 =	sshrl.u32 s11, $0x5;
	s8 =	sshra.s32 s24, $0x12  }
0x1d: {  	s10 =	simm.s32 @!p0 $0x0;
	s30 =	sand.u32 $0x3FFF8, s11;
	p0 =	slt.s32 s3, $0x1  }
.Ltmp0:
0x1e: {  	s6 =	ssub.s32 s8, s10;
	s10 =	sshra.s32 s28, $0x2;
	(pc) =	sbr.rel .LBB2_1-.Ltmp0, $4  }
0x1f: {  	s9 =	smin.u32 s30, $0x17A60;
	s8 =	sshll.u32 s6, $0x2;
	s10 =	sadd.s32 $0x20, s10  }
0x20: {  	p1 =	slt.s32 s6, $0x1;
	s29 =	sadd.s32 s3, s8;
	s8 =	smax.u32 s19, $0x1  }
0x21: {  	v2 =	vimm.s32 $0x0;
	s31 =	sshll.u32 s29, $0x6;
	s11 =	ssub.s32 $0xC4, s29;
	s16 =	sshll.u32 s29, $0x4  }
0x22: {  	v3 =	vlaneseq.u32;
	v4 =	vimm.s32 $0x1;
	v0 =	vmov s13;
	p2 =	sgt.s32 s29, $0xC3;
	s12 =	sshra.s32 s31, $0x2;
	s13 =	sadd.s32 s16, s9  }
.LBB2_12:
0x23: {  	vm0 =	vge.s32 v6, v0;
	vm1 =	vlt.s32 v6, v1  }
0x24: {  	vm0 =	vmand vm0, vm1;
	_ =	sdelay $0x5  }
0x25: {  	[tilespmem:v5+s14+$0x0] =	vst.idx.add.s32.msk vm0, v4  }
.LBB2_13:
0x26: {  	s15 =	sadd.s32 $0x1, s15  }
0x27: {  	p3 =	sne.s32 s15, s8  }
.Ltmp1:
0x28: {  	_ = 	snop;
	(pc) =	sbr.rel @!p3 .LBB2_14-.Ltmp1, $4  }
0x29: {  	[hbm4b:s7+s2] =	stream.linear.scatter [tilespmem:s14], [sflag:$0x1], $0x7800, $0x38;
	[tilespmem:$0x8480] =	vst v63  }
0x2a: {  	_ =	swait.ge [sflag:s5], $0x7800  }
0x2b: {  	[sflag:s5] =	ssyncset.done $0x0  }
0x2c: {  	[sflag:s5] =	ssyncadd.s32 $0xFFFF8800  }
.LBB2_1:
0x2d: {  	[tilespmem:s2], [sflag:$0x1] =	stream.linear.gather [hbm4b:s4+s2], $0xC40, $0x38;
	[tilespmem:$0x8480] =	vst v63  }
0x2e: {  	_ =	swait.ge [sflag:s5], $0xC40  }
0x2f: {  	[sflag:s5] =	ssyncset.done $0x0  }
0x30: {  	s16 =	simm.s32 $0x0;
	s17 =	simm.s32 $0x200;
	[sflag:s5] =	ssyncadd.s32 $0xFFFFF3C0  }
.LBB2_2:
0x31: {  	p3 =	sne.s32 s17, $0x1DE00;
	[tilespmem:s16+$0xCF0] =	vst v2  }
0x32: {  	[tilespmem:s16+$0xC80] =	vst v2  }
0x33: {  	[tilespmem:s16+$0xC90] =	vst v2  }
.Ltmp2:
0x34: {  	[tilespmem:s16+$0xCA0] =	vst v2;
	(pc) =	sbr.rel @p3 .LBB2_2-.Ltmp2, $4  }
0x35: {  	[tilespmem:s16+$0xCB0] =	vst v2  }
0x36: {  	[tilespmem:s16+$0xCC0] =	vst v2  }
0x37: {  	[tilespmem:s16+$0xCD0] =	vst v2  }
0x38: {  	[tilespmem:s16+$0xCE0] =	vst v2;
	s16 =	sshra.s32 s17, $0x2;
	s17 =	sadd.s32 $0x200, s17  }
0x39: {  	[tilespmem:s16+$0xCF0] =	vst v2  }
0x3a: {  	[tilespmem:s16+$0xC80] =	vst v2  }
0x3b: {  	[tilespmem:s16+$0xC90] =	vst v2  }
.Ltmp3:
0x3c: {  	[tilespmem:s16+$0xCA0] =	vst v2;
	(pc) =	sbr.rel @p0 .LBB2_7-.Ltmp3, $4  }
0x3d: {  	[tilespmem:s16+$0xCB0] =	vst v2  }
0x3e: {  	[tilespmem:s16+$0xCC0] =	vst v2  }
0x3f: {  	[tilespmem:s16+$0xCD0] =	vst v2  }
0x40: {  	[tilespmem:s16+$0xCE0] =	vst v2;
	s16 =	simm.s32 $0x0  }
0x41: {  	p3 =	sne.s32 s3, $0x1  }
.Ltmp4:
0x42: {  	_ = 	snop;
	(pc) =	sbr.rel @!p3 .LBB2_6-.Ltmp4, $2  }
0x43: {  	_ =	sdelay $0x2  }
0x44: {  	v6 =	vadd.s32 s9, v3;
	v5 =	vld [tilespmem:s16+$0x0];
	s17 =	sadd.s32 $0xFFFFFFFF, s3;
	s18 =	smov.u32 s9  }
.LBB2_5:
0x45: {  	p3 =	sne.s32 s17, $0x1;
	vm0 =	vge.s32 v6, v0;
	vm1 =	vlt.s32 v6, v1  }
0x46: {  	vm0 =	vmand vm0, vm1;
	_ =	sdelay $0x2  }
.Ltmp5:
0x47: {  	(pc) =	sbr.rel @p3 .LBB2_5-.Ltmp5, $3  }
0x48: {  	_ =	sdelay $0x1  }
0x49: {  	s16 =	sadd.s32 $0x10, s16;
	s18 =	sadd.s32 $0x10, s18;
	[tilespmem:v5+s14+$0x0] =	vst.idx.add.s32.msk vm0, v4  }
0x4a: {  	s17 =	sadd.s32 $0xFFFFFFFF, s17;
	v6 =	vadd.s32 s18, v3;
	v5 =	vld [tilespmem:s16+$0x0]  }
.LBB2_6:
0x4b: {  	_ = 	snop  }
0x4c: {  	vm0 =	vge.s32 v6, v0;
	vm1 =	vlt.s32 v6, v1  }
0x4d: {  	vm0 =	vmand vm0, vm1;
	_ =	sdelay $0x5  }
0x4e: {  	[tilespmem:v5+s14+$0x0] =	vst.idx.add.s32.msk vm0, v4  }
.LBB2_7:
.Ltmp6:
0x4f: {  	(pc) =	sbr.rel @p1 .LBB2_9-.Ltmp6, $2  }
0x50: {  	_ =	sdelay $0x2  }
0x51: {  	s16 =	smov.u32 s10;
	s17 =	smov.u32 s6  }
.LBB2_8:
0x52: {  	v5 =	vld [tilespmem:s16+$0xFFFFFFE0];
	_ =	sdelay $0x7  }
0x53: {  	[tilespmem:v5+s14+$0x0] =	vst.idx.add.s32.msk $0xffff, v4  }
0x54: {  	v5 =	vld [tilespmem:s16+$0xFFFFFFF0];
	_ =	sdelay $0x7  }
0x55: {  	[tilespmem:v5+s14+$0x0] =	vst.idx.add.s32.msk $0xffff, v4  }
0x56: {  	v5 =	vld [tilespmem:s16+$0x0];
	_ =	sdelay $0x7  }
0x57: {  	[tilespmem:v5+s14+$0x0] =	vst.idx.add.s32.msk $0xffff, v4  }
0x58: {  	v5 =	vld [tilespmem:s16+$0x10];
	_ =	sdelay $0x2  }
0x59: {  	p3 =	sne.s32 s17, $0x1  }
.Ltmp7:
0x5a: {  	_ = 	snop;
	(pc) =	sbr.rel @p3 .LBB2_8-.Ltmp7, $2  }
0x5b: {  	_ =	sdelay $0x2  }
0x5c: {  	s17 =	sadd.s32 $0xFFFFFFFF, s17;
	s16 =	sadd.s32 $0x40, s16;
	[tilespmem:v5+s14+$0x0] =	vst.idx.add.s32.msk $0xffff, v4  }
.LBB2_9:
.Ltmp8:
0x5d: {  	(pc) =	sbr.rel @p2 .LBB2_13-.Ltmp8, $1  }
0x5e: {  	_ =	sdelay $0x3  }
0x5f: {  	p3 =	sne.s32 s11, $0x1  }
.Ltmp9:
0x60: {  	_ = 	snop;
	(pc) =	sbr.rel @!p3 .LBB2_12-.Ltmp9, $2  }
0x61: {  	_ =	sdelay $0x2  }
0x62: {  	v6 =	vadd.s32 s13, v3;
	v5 =	vld [tilespmem:s12+$0x0];
	s16 =	sadd.s32 $0xFFFFFFFF, s11;
	s17 =	smov.u32 s12;
	s18 =	smov.u32 s13  }
.LBB2_11:
0x63: {  	p3 =	sne.s32 s16, $0x1;
	vm0 =	vge.s32 v6, v0;
	vm1 =	vlt.s32 v6, v1  }
0x64: {  	vm0 =	vmand vm0, vm1;
	_ =	sdelay $0x2  }
.Ltmp10:
0x65: {  	(pc) =	sbr.rel @p3 .LBB2_11-.Ltmp10, $3  }
0x66: {  	_ =	sdelay $0x1  }
0x67: {  	s17 =	sadd.s32 $0x10, s17;
	s18 =	sadd.s32 $0x10, s18;
	[tilespmem:v5+s14+$0x0] =	vst.idx.add.s32.msk vm0, v4  }
0x68: {  	s16 =	sadd.s32 $0xFFFFFFFF, s16;
	v6 =	vadd.s32 s18, v3;
	v5 =	vld [tilespmem:s17+$0x0]  }
.Ltmp11:
0x69: {  	_ = 	snop;
	(pc) =	sbr.rel .LBB2_12-.Ltmp11, $1  }
0x6a: {  	_ =	sdelay $0x3  }
.LBB2_14:
0x6b: {  	_ =	sfence.sel $0x180000  }
0x6c: {  	[bflag:$0x0] =	sbarrier.arrive $0xFFFF  }
0x6d: {  	p0 =	sne.s32 s0, $0x0;
	_ =	strace $0x90000047  }
0x6e: {  	s0 =	sadd.s32 @!p0 $0x100000, s1;
	[bflag:$0x2] =	sbarrier.arrive $0xFFFF  }
0x6f: {  	[sflag:s0] =	ssyncadd.tile.s32 @!p0 $0x1;
	_ =	shalt  }
.Lfunc_end2:
_tile_overlayer_lowered:
.L_overlay_start_2:
0x70: {  	(tag) =	ssettag $0x2  }
0x71: {  	s0 =	rddreg [dreg:$0x0];
	s2 =	stileid.u32  }
0x72: {  	s1 =	rddreg [dreg:$0x1];
	p0 =	sne.s32 s2, $0x0  }
0x73: {  	s3 =	rddreg [dreg:$0x2];
	[bflag:$0x3] =	sbarrier.arrive $0xFFFF;
	s2 =	simm.s32 @!p0 $0x1C01  }
0x74: {  	[timem:s3], [sflag:s2] =	dma.local @!p0 [hbm:s0], s1  }
0x75: {  	s0 =	simm.s32 @!p0 $0x1  }
0x76: {  	_ =	swait.ge @!p0 [sflag:s0], s1  }
0x77: {  	s1 =	ssub.s32 @!p0 $0x0, s1;
	[sflag:s0] =	ssyncset.done @!p0 $0x0  }
0x78: {  	[sflag:s0] =	ssyncadd.s32 @!p0 s1  }
0x79: {  	[bflag:$0x3] =	sbarrier.arrive $0xFFFF  }
0x7a: {  	_ =	shalt  }

</sc_bundles>
